<compile_context>
chip_gen: v7x
topology: tpu7x:2x2x1
jax: 0.10.2.dev20260603
libtpu: 0.0.44.dev20260713+nightly
codegen_flags: <defaults>
</compile_context>

<pallas_src>
import functools

import jax
import jax.numpy as jnp
from jax import lax
from jax.experimental import pallas as pl
from jax.experimental.pallas import tpu as pltpu
from jax.experimental.pallas import tpu_sc as plsc

WORD_VOCAB = 100000
D = 64
B = 4096
L = 200
NC, NS = 2, 16
NW = NC * NS
BW = B // NW
IBLK = 16


_R = 4000


def _transform_body(vt_ref, pt_ref, w_ref, b_ref, vtt_ref, ptt_ref):
    w = w_ref[...]
    wv = w[:, 0:64]
    wp = w[:, 64:128]
    dn = (((1,), (1,)), ((), ()))
    vtt_ref[...] = (
        lax.dot_general(vt_ref[...], wv, dn, precision=lax.Precision.HIGHEST)
        + b_ref[...]
    )
    ptt_ref[...] = lax.dot_general(
        pt_ref[...], wp, dn, precision=lax.Precision.HIGHEST
    )


def _transform_tables(value_table, pos_table, W, b):
    b2 = b.reshape(1, D)
    return pl.pallas_call(
        _transform_body,
        grid=(WORD_VOCAB // _R,),
        in_specs=[
            pl.BlockSpec((_R, D), lambda i: (i, 0)),
            pl.BlockSpec((_R, D), lambda i: (i, 0)),
            pl.BlockSpec((D, 2 * D), lambda i: (0, 0)),
            pl.BlockSpec((1, D), lambda i: (0, 0)),
        ],
        out_specs=[
            pl.BlockSpec((_R, D), lambda i: (i, 0)),
            pl.BlockSpec((_R, D), lambda i: (i, 0)),
        ],
        out_shape=[
            jax.ShapeDtypeStruct((WORD_VOCAB, D), jnp.float32),
            jax.ShapeDtypeStruct((WORD_VOCAB, D), jnp.float32),
        ],
    )(value_table, pos_table, W, b2)




def _sc_body(vtt, ptt, pt, idx4, mp,
             ivp, va0, vb0, vc0, va1, vb1, vc1,
             gs0, gs1, ss0, ss1):
    wid = lax.axis_index("s") * NC + lax.axis_index("c")
    b0 = wid * BW

    def stage_idx(g):
        pltpu.sync_copy(idx4.at[pl.ds(g, IBLK), wid], ivp)

    def gather_copies(g, va, vb, vc, sem):
        jj = lax.rem(g, IBLK)
        return [
            pltpu.make_async_copy(vtt.at[ivp.at[jj, 0]], va, sem),
            pltpu.make_async_copy(ptt.at[ivp.at[jj, 1]], vb, sem),
            pltpu.make_async_copy(pt.at[ivp.at[jj, 1]], vc, sem),
        ]

    def issue_gathers(g, va, vb, vc, sem):
        for c in gather_copies(g, va, vb, vc, sem):
            c.start()

    def wait_gathers(g, va, vb, vc, sem):
        for c in gather_copies(g, va, vb, vc, sem):
            c.wait()

    def scatter_copies(g, va, vc, sem):
        dst = mp.at[g, pl.ds(b0, BW)]
        return [
            pltpu.make_async_copy(va, dst.at[:, pl.ds(0, D)], sem),
            pltpu.make_async_copy(vc, dst.at[:, pl.ds(D, D)], sem),
        ]

    def compute(va, vb):
        def tok(t, carry):
            for dd in range(D // 16):
                sl = pl.ds(dd * 16, 16)
                va[t, sl] = jnp.maximum(va[t, sl] + vb[t, sl], 0.0)
            return carry
        lax.fori_loop(0, BW, tok, 0)

    def loop_body(i, carry):
        g0 = 2 * i
        g1 = 2 * i + 1
        @pl.when(lax.rem(g0 + 1, IBLK) == 0)
        def _():
            stage_idx(g0 + 1)
        @pl.when(i >= 1)
        def _():
            for c in scatter_copies(g0 - 1, va1, vc1, ss1):
                c.wait()
        issue_gathers(g0 + 1, va1, vb1, vc1, gs1)
        wait_gathers(g0, va0, vb0, vc0, gs0)
        compute(va0, vb0)
        for c in scatter_copies(g0, va0, vc0, ss0):
            c.start()
        @pl.when(i < (L // 2) - 1)
        def _():
            @pl.when(lax.rem(g1 + 1, IBLK) == 0)
            def _():
                stage_idx(g1 + 1)
            for c in scatter_copies(g0, va0, vc0, ss0):
                c.wait()
            issue_gathers(g1 + 1, va0, vb0, vc0, gs0)
        wait_gathers(g1, va1, vb1, vc1, gs1)
        compute(va1, vb1)
        for c in scatter_copies(g1, va1, vc1, ss1):
            c.start()
        return carry

    stage_idx(0)
    issue_gathers(0, va0, vb0, vc0, gs0)
    lax.fori_loop(0, L // 2, loop_body, 0)
    for c in scatter_copies(L - 2, va0, vc0, ss0):
        c.wait()
    for c in scatter_copies(L - 1, va1, vc1, ss1):
        c.wait()


_sc_gather = functools.partial(
    pl.kernel,
    out_type=jax.ShapeDtypeStruct((L, B, 2 * D), jnp.float32),
    mesh=plsc.VectorSubcoreMesh(core_axis_name="c", subcore_axis_name="s"),
    compiler_params=pltpu.CompilerParams(use_tc_tiling_on_sc=False),
    scratch_types=[
        pltpu.VMEM((IBLK, 2, BW), jnp.int32),
        pltpu.VMEM((BW, D), jnp.float32),
        pltpu.VMEM((BW, D), jnp.float32),
        pltpu.VMEM((BW, D), jnp.float32),
        pltpu.VMEM((BW, D), jnp.float32),
        pltpu.VMEM((BW, D), jnp.float32),
        pltpu.VMEM((BW, D), jnp.float32),
        pltpu.SemaphoreType.DMA,
        pltpu.SemaphoreType.DMA,
        pltpu.SemaphoreType.DMA,
        pltpu.SemaphoreType.DMA,
    ],
)(_sc_body)



_DT, _DR = D // 8, 8
_BT, _BC = B // 128, 128


def _relayout_body(mp_ref, m5_ref, p5_ref):
    for j in range(2):
        x = mp_ref[j]
        for sl, dst in (((0, D), m5_ref), ((D, D), p5_ref)):
            xt = x[:, sl[0]:sl[0] + sl[1]].T
            dst[j] = xt.reshape(_DT, _DR, _BT, _BC).transpose(0, 2, 1, 3)


def _relayout(mp):
    m5, p5 = pl.pallas_call(
        _relayout_body,
        grid=(L // 2,),
        in_specs=[
            pl.BlockSpec((2, B, 2 * D), lambda i: (i, 0, 0)),
        ],
        out_specs=[
            pl.BlockSpec((2, _DT, _BT, _DR, _BC), lambda i: (i, 0, 0, 0, 0)),
            pl.BlockSpec((2, _DT, _BT, _DR, _BC), lambda i: (i, 0, 0, 0, 0)),
        ],
        out_shape=[
            jax.ShapeDtypeStruct((L, _DT, _BT, _DR, _BC), jnp.float32),
            jax.ShapeDtypeStruct((L, _DT, _BT, _DR, _BC), jnp.float32),
        ],
    )(mp)

    def to3d(x5):
        return x5.transpose(2, 4, 0, 1, 3).reshape(B, L, D)

    return to3d(m5), to3d(p5)


def kernel(value_table, pos_table, W, b, inputs):
    vtt, ptt = _transform_tables(value_table, pos_table, W, b)
    idx4 = (inputs.transpose(1, 0, 2)
            .reshape(L, NW, BW, 2)
            .transpose(0, 1, 3, 2))
    mp = _sc_gather(vtt, ptt, pos_table, idx4)
    return _relayout(mp)

# --- scband reference (transcript-rebuilt; emitter-appended) ---
"""Pipeline reference for scband-table-embeddings-40080634806735 (READ-ONLY COPY).

The authoritative reference and input builder live on the scoring server;
editing this copy changes nothing except your own understanding.
"""

import jax, jax.numpy as jnp
import numpy as np

WORD_VOCAB = 100000
FEAT_VOCAB = 100000
WORD_DIM = 64
FEAT_DIM = 64
PAD = 0
B = 4096
L = 200


def setup_inputs(seed: int = 0) -> dict:
    key = jax.random.key(seed)
    k1, k2, k3, k4 = jax.random.split(key, 4)
    inputs = jax.random.randint(k1, (B, L, 2), 0, WORD_VOCAB, dtype=jnp.int32)
    value_table = jax.random.normal(k2, (WORD_VOCAB, WORD_DIM), dtype=jnp.float32)
    value_table = value_table.at[PAD].set(0.0)
    pos_table = jax.random.normal(k3, (FEAT_VOCAB, FEAT_DIM), dtype=jnp.float32)
    pos_table = pos_table.at[PAD].set(0.0)
    W = jax.random.normal(k4, (WORD_DIM, WORD_DIM + FEAT_DIM), dtype=jnp.float32) * 0.05
    b = jnp.zeros((WORD_DIM,), dtype=jnp.float32)
    return {"value_table": value_table, "pos_table": pos_table, "W": W, "b": b, "inputs": inputs}


def reference(value_table, pos_table, W, b, inputs):
    # split (value, pos) along last dim and squeeze
    values_idx = inputs[:, :, 0]
    pos_idx = inputs[:, :, 1]
    # embedding lookups (gather)
    values = jnp.take(value_table, values_idx, axis=0)
    pos = jnp.take(pos_table, pos_idx, axis=0)
    # merge == 'mlp': concat -> Linear -> ReLU
    cat = jnp.concatenate((values, pos), axis=2)
    merged = jnp.einsum('blo,do->bld', cat, W) + b
    merged = jnp.maximum(merged, 0.0)
    return (merged, pos)

if __name__ == "__main__":
    import jax
    _d = setup_inputs()
    print(jax.jit(kernel)(*tuple(_d.values())))

</pallas_src>

<mosaic_0001>
#map = affine_map<(d0, d1) -> (0, 0)>
#map1 = affine_map<(d0, d1) -> (0, 0, 0, 0)>
#map2 = affine_map<(d0, d1) -> (0, 0, 0)>
module attributes {stable_mosaic.version = 14 : i64} {
  func.func @_sc_body(%arg0: i32, %arg1: i32, %arg2: memref<100000x64xf32, #tpu.memory_space<hbm>>, %arg3: memref<100000x64xf32, #tpu.memory_space<hbm>>, %arg4: memref<100000x64xf32, #tpu.memory_space<hbm>>, %arg5: memref<200x32x2x128xi32, #tpu.memory_space<hbm>>, %arg6: memref<200x4096x128xf32, #tpu.memory_space<hbm>>, %arg7: memref<16x2x128xi32, #tpu.memory_space<vmem>>, %arg8: memref<128x64xf32, #tpu.memory_space<vmem>>, %arg9: memref<128x64xf32, #tpu.memory_space<vmem>>, %arg10: memref<128x64xf32, #tpu.memory_space<vmem>>, %arg11: memref<128x64xf32, #tpu.memory_space<vmem>>, %arg12: memref<128x64xf32, #tpu.memory_space<vmem>>, %arg13: memref<128x64xf32, #tpu.memory_space<vmem>>, %arg14: memref<!tpu.dma_semaphore, #tpu.memory_space<semaphore_mem>>, %arg15: memref<!tpu.dma_semaphore, #tpu.memory_space<semaphore_mem>>, %arg16: memref<!tpu.dma_semaphore, #tpu.memory_space<semaphore_mem>>, %arg17: memref<!tpu.dma_semaphore, #tpu.memory_space<semaphore_mem>>) attributes {dimension_semantics = [#tpu.dimension_semantics<core_parallel>, #tpu.dimension_semantics<subcore_parallel>], iteration_bounds = array<i64: 2, 16>, scalar_prefetch = 0 : i64, scratch_operands = 11 : i64, tpu.core_type = #tpu.core_type<sc_vector_subcore>, window_params = [{transform_indices = #map}, {transform_indices = #map}, {transform_indices = #map}, {transform_indices = #map1}, {transform_indices = #map2}]} {
    %mul3A = arith.constant 2 : i32
    %mul3A_0 = arith.muli %arg1, %mul3A : i32
    %add3A = arith.addi %mul3A_0, %arg0 : i32
    %mul3A_1 = arith.constant 128 : i32
    %mul3A_2 = arith.muli %add3A, %mul3A_1 : i32
    "tpu.region"() ({
      %run_scoped3A = tpu.sem_alloc : memref<!tpu.dma_semaphore, #tpu.memory_space<semaphore_mem>>
      %dma_start3A_81 = arith.constant 0 : i32
      %dma_start3A_82 = arith.constant 0 : i32
      %dma_start3A_83 = arith.constant 0 : i32
      %dma_start3A_84 = tpu.memref_slice %arg5[%dma_start3A_81, %add3A, %dma_start3A_82, %dma_start3A_83] : memref<200x32x2x128xi32, #tpu.memory_space<hbm>> -> memref<16x1x2x128xi32, #tpu.memory_space<hbm>>
      %dma_start3A_85 = tpu.memref_squeeze %dma_start3A_84 : memref<16x1x2x128xi32, #tpu.memory_space<hbm>> -> memref<16x2x128xi32, #tpu.memory_space<hbm>>
      %dma_start3A_86 = arith.constant 0 : i32
      %dma_start3A_87 = arith.constant 0 : i32
      %dma_start3A_88 = arith.constant 0 : i32
      %dma_start3A_89 = tpu.memref_slice %arg5[%dma_start3A_86, %add3A, %dma_start3A_87, %dma_start3A_88] : memref<200x32x2x128xi32, #tpu.memory_space<hbm>> -> memref<16x1x2x128xi32, #tpu.memory_space<hbm>>
      %dma_start3A_90 = tpu.memref_squeeze %dma_start3A_89 : memref<16x1x2x128xi32, #tpu.memory_space<hbm>> -> memref<16x2x128xi32, #tpu.memory_space<hbm>>
      tpu.enqueue_dma source(%dma_start3A_90 : memref<16x2x128xi32, #tpu.memory_space<hbm>>) target(%arg7 : memref<16x2x128xi32, #tpu.memory_space<vmem>>) target_semaphore(%run_scoped3A : memref<!tpu.dma_semaphore, #tpu.memory_space<semaphore_mem>>)
      %dma_wait3A_91 = arith.constant 0 : i32
      %dma_wait3A_92 = arith.constant 0 : i32
      %dma_wait3A_93 = arith.constant 0 : i32
      %dma_wait3A_94 = tpu.memref_slice %arg5[%dma_wait3A_91, %add3A, %dma_wait3A_92, %dma_wait3A_93] : memref<200x32x2x128xi32, #tpu.memory_space<hbm>> -> memref<16x1x2x128xi32, #tpu.memory_space<hbm>>
      %dma_wait3A_95 = tpu.memref_squeeze %dma_wait3A_94 : memref<16x1x2x128xi32, #tpu.memory_space<hbm>> -> memref<16x2x128xi32, #tpu.memory_space<hbm>>
      %dma_wait3A_96 = arith.constant 0 : i32
      %dma_wait3A_97 = arith.constant 0 : i32
      %dma_wait3A_98 = arith.constant 0 : i32
      %dma_wait3A_99 = tpu.memref_slice %arg5[%dma_wait3A_96, %add3A, %dma_wait3A_97, %dma_wait3A_98] : memref<200x32x2x128xi32, #tpu.memory_space<hbm>> -> memref<16x1x2x128xi32, #tpu.memory_space<hbm>>
      %dma_wait3A_100 = tpu.memref_squeeze %dma_wait3A_99 : memref<16x1x2x128xi32, #tpu.memory_space<hbm>> -> memref<16x2x128xi32, #tpu.memory_space<hbm>>
      tpu.wait_dma2 semaphore(%run_scoped3A : memref<!tpu.dma_semaphore, #tpu.memory_space<semaphore_mem>>) src(%dma_wait3A_100 : memref<16x2x128xi32, #tpu.memory_space<hbm>>) dst(%arg7 : memref<16x2x128xi32, #tpu.memory_space<vmem>>)
      tpu.yield
    }) : () -> ()
    %rem3A = arith.constant 0 : i32
    %rem3A_3 = arith.constant 16 : i32
    %rem3A_4 = arith.remsi %rem3A, %rem3A_3 : i32
    %dma_start3A = arith.constant 0 : i32
    %dma_start3A_5 = arith.constant 0 : i32
    %dma_start3A_6 = tpu.memref_slice %arg7[%rem3A_4, %dma_start3A, %dma_start3A_5] : memref<16x2x128xi32, #tpu.memory_space<vmem>> -> memref<1x1x128xi32, #tpu.memory_space<vmem>>
    %dma_start3A_7 = tpu.memref_squeeze %dma_start3A_6 : memref<1x1x128xi32, #tpu.memory_space<vmem>> -> memref<128xi32, #tpu.memory_space<vmem>>
    %dma_start3A_8 = arith.constant 0 : i32
    %dma_start3A_9 = arith.constant 0 : i32
    %dma_start3A_10 = tpu.memref_slice %arg2[%dma_start3A_8, %dma_start3A_9] : memref<100000x64xf32, #tpu.memory_space<hbm>> -> memref<100000x64xf32, #tpu.memory_space<hbm>>
    tpu.enqueue_indirect_dma source(%dma_start3A_10 : memref<100000x64xf32, #tpu.memory_space<hbm>>) target(%arg8 : memref<128x64xf32, #tpu.memory_space<vmem>>) offsets(%dma_start3A_7 : memref<128xi32, #tpu.memory_space<vmem>>) semaphore(%arg14 : memref<!tpu.dma_semaphore, #tpu.memory_space<semaphore_mem>>)
    %dma_start3A_11 = arith.constant 1 : i32
    %dma_start3A_12 = arith.constant 0 : i32
    %dma_start3A_13 = tpu.memref_slice %arg7[%rem3A_4, %dma_start3A_11, %dma_start3A_12] : memref<16x2x128xi32, #tpu.memory_space<vmem>> -> memref<1x1x128xi32, #tpu.memory_space<vmem>>
    %dma_start3A_14 = tpu.memref_squeeze %dma_start3A_13 : memref<1x1x128xi32, #tpu.memory_space<vmem>> -> memref<128xi32, #tpu.memory_space<vmem>>
    %dma_start3A_15 = arith.constant 0 : i32
    %dma_start3A_16 = arith.constant 0 : i32
    %dma_start3A_17 = tpu.memref_slice %arg3[%dma_start3A_15, %dma_start3A_16] : memref<100000x64xf32, #tpu.memory_space<hbm>> -> memref<100000x64xf32, #tpu.memory_space<hbm>>
    tpu.enqueue_indirect_dma source(%dma_start3A_17 : memref<100000x64xf32, #tpu.memory_space<hbm>>) target(%arg9 : memref<128x64xf32, #tpu.memory_space<vmem>>) offsets(%dma_start3A_14 : memref<128xi32, #tpu.memory_space<vmem>>) semaphore(%arg14 : memref<!tpu.dma_semaphore, #tpu.memory_space<semaphore_mem>>)
    %dma_start3A_18 = arith.constant 1 : i32
    %dma_start3A_19 = arith.constant 0 : i32
    %dma_start3A_20 = tpu.memref_slice %arg7[%rem3A_4, %dma_start3A_18, %dma_start3A_19] : memref<16x2x128xi32, #tpu.memory_space<vmem>> -> memref<1x1x128xi32, #tpu.memory_space<vmem>>
    %dma_start3A_21 = tpu.memref_squeeze %dma_start3A_20 : memref<1x1x128xi32, #tpu.memory_space<vmem>> -> memref<128xi32, #tpu.memory_space<vmem>>
    %dma_start3A_22 = arith.constant 0 : i32
    %dma_start3A_23 = arith.constant 0 : i32
    %dma_start3A_24 = tpu.memref_slice %arg4[%dma_start3A_22, %dma_start3A_23] : memref<100000x64xf32, #tpu.memory_space<hbm>> -> memref<100000x64xf32, #tpu.memory_space<hbm>>
    tpu.enqueue_indirect_dma source(%dma_start3A_24 : memref<100000x64xf32, #tpu.memory_space<hbm>>) target(%arg10 : memref<128x64xf32, #tpu.memory_space<vmem>>) offsets(%dma_start3A_21 : memref<128xi32, #tpu.memory_space<vmem>>) semaphore(%arg14 : memref<!tpu.dma_semaphore, #tpu.memory_space<semaphore_mem>>)
    %scan3A = arith.constant 0 : i32
    %scan3A_25 = arith.constant 0 : i32
    %scan3A_26 = arith.constant 100 : i32
    %scan3A_27 = arith.addi %scan3A_25, %scan3A_26 : i32
    %scan3A_28 = arith.constant 1 : i32
    scf.for %scan3A_81 = %scan3A_25 to %scan3A_27 step %scan3A_28  : i32 {
      %mul3A_82 = arith.constant 2 : i32
      %mul3A_83 = arith.muli %mul3A_82, %scan3A_81 : i32
      %mul3A_84 = arith.constant 2 : i32
      %mul3A_85 = arith.muli %mul3A_84, %scan3A_81 : i32
      %add3A_86 = arith.constant 1 : i32
      %add3A_87 = arith.addi %mul3A_85, %add3A_86 : i32
      %add3A_88 = arith.constant 1 : i32
      %add3A_89 = arith.addi %mul3A_83, %add3A_88 : i32
      %rem3A_90 = arith.constant 16 : i32
      %rem3A_91 = arith.remsi %add3A_89, %rem3A_90 : i32
      %eq3A = arith.constant 0 : i32
      %eq3A_92 = arith.cmpi eq, %rem3A_91, %eq3A : i32
      %convert_element_type3A = arith.extui %eq3A_92 : i1 to i32
      %cond3A = arith.constant 0 : i32
      %cond3A_93 = arith.cmpi ne, %convert_element_type3A, %cond3A : i32
      scf.if %cond3A_93 {
        %add3A_233 = arith.constant 1 : i32
        %add3A_234 = arith.addi %mul3A_83, %add3A_233 : i32
        "tpu.region"() ({
          %run_scoped3A = tpu.sem_alloc : memref<!tpu.dma_semaphore, #tpu.memory_space<semaphore_mem>>
          %dma_start3A_235 = arith.constant 0 : i32
          %dma_start3A_236 = arith.constant 0 : i32
          %dma_start3A_237 = tpu.memref_slice %arg5[%add3A_234, %add3A, %dma_start3A_235, %dma_start3A_236] : memref<200x32x2x128xi32, #tpu.memory_space<hbm>> -> memref<16x1x2x128xi32, #tpu.memory_space<hbm>>
          %dma_start3A_238 = tpu.memref_squeeze %dma_start3A_237 : memref<16x1x2x128xi32, #tpu.memory_space<hbm>> -> memref<16x2x128xi32, #tpu.memory_space<hbm>>
          %dma_start3A_239 = arith.constant 0 : i32
          %dma_start3A_240 = arith.constant 0 : i32
          %dma_start3A_241 = tpu.memref_slice %arg5[%add3A_234, %add3A, %dma_start3A_239, %dma_start3A_240] : memref<200x32x2x128xi32, #tpu.memory_space<hbm>> -> memref<16x1x2x128xi32, #tpu.memory_space<hbm>>
          %dma_start3A_242 = tpu.memref_squeeze %dma_start3A_241 : memref<16x1x2x128xi32, #tpu.memory_space<hbm>> -> memref<16x2x128xi32, #tpu.memory_space<hbm>>
          tpu.enqueue_dma source(%dma_start3A_242 : memref<16x2x128xi32, #tpu.memory_space<hbm>>) target(%arg7 : memref<16x2x128xi32, #tpu.memory_space<vmem>>) target_semaphore(%run_scoped3A : memref<!tpu.dma_semaphore, #tpu.memory_space<semaphore_mem>>)
          %dma_wait3A_243 = arith.constant 0 : i32
          %dma_wait3A_244 = arith.constant 0 : i32
          %dma_wait3A_245 = tpu.memref_slice %arg5[%add3A_234, %add3A, %dma_wait3A_243, %dma_wait3A_244] : memref<200x32x2x128xi32, #tpu.memory_space<hbm>> -> memref<16x1x2x128xi32, #tpu.memory_space<hbm>>
          %dma_wait3A_246 = tpu.memref_squeeze %dma_wait3A_245 : memref<16x1x2x128xi32, #tpu.memory_space<hbm>> -> memref<16x2x128xi32, #tpu.memory_space<hbm>>
          %dma_wait3A_247 = arith.constant 0 : i32
          %dma_wait3A_248 = arith.constant 0 : i32
          %dma_wait3A_249 = tpu.memref_slice %arg5[%add3A_234, %add3A, %dma_wait3A_247, %dma_wait3A_248] : memref<200x32x2x128xi32, #tpu.memory_space<hbm>> -> memref<16x1x2x128xi32, #tpu.memory_space<hbm>>
          %dma_wait3A_250 = tpu.memref_squeeze %dma_wait3A_249 : memref<16x1x2x128xi32, #tpu.memory_space<hbm>> -> memref<16x2x128xi32, #tpu.memory_space<hbm>>
          tpu.wait_dma2 semaphore(%run_scoped3A : memref<!tpu.dma_semaphore, #tpu.memory_space<semaphore_mem>>) src(%dma_wait3A_250 : memref<16x2x128xi32, #tpu.memory_space<hbm>>) dst(%arg7 : memref<16x2x128xi32, #tpu.memory_space<vmem>>)
          tpu.yield
        }) : () -> ()
      } else {
      }
      %ge3A = arith.constant 1 : i32
      %ge3A_94 = arith.cmpi sge, %scan3A_81, %ge3A : i32
      %convert_element_type3A_95 = arith.extui %ge3A_94 : i1 to i32
      %cond3A_96 = arith.constant 0 : i32
      %cond3A_97 = arith.cmpi ne, %convert_element_type3A_95, %cond3A_96 : i32
      scf.if %cond3A_97 {
        %sub3A = arith.constant 1 : i32
        %sub3A_233 = arith.subi %mul3A_83, %sub3A : i32
        %dma_wait3A_234 = arith.constant 0 : i32
        %dma_wait3A_235 = tpu.memref_slice %arg6[%sub3A_233, %mul3A_2, %dma_wait3A_234] : memref<200x4096x128xf32, #tpu.memory_space<hbm>> -> memref<1x128x128xf32, #tpu.memory_space<hbm>>
        %dma_wait3A_236 = tpu.memref_squeeze %dma_wait3A_235 : memref<1x128x128xf32, #tpu.memory_space<hbm>> -> memref<128x128xf32, #tpu.memory_space<hbm>>
        %dma_wait3A_237 = arith.constant 0 : i32
        %dma_wait3A_238 = arith.constant 0 : i32
        %dma_wait3A_239 = tpu.memref_slice %dma_wait3A_236[%dma_wait3A_237, %dma_wait3A_238] : memref<128x128xf32, #tpu.memory_space<hbm>> -> memref<128x64xf32, #tpu.memory_space<hbm>>
        %dma_wait3A_240 = arith.constant 0 : i32
        %dma_wait3A_241 = tpu.memref_slice %arg6[%sub3A_233, %mul3A_2, %dma_wait3A_240] : memref<200x4096x128xf32, #tpu.memory_space<hbm>> -> memref<1x128x128xf32, #tpu.memory_space<hbm>>
        %dma_wait3A_242 = tpu.memref_squeeze %dma_wait3A_241 : memref<1x128x128xf32, #tpu.memory_space<hbm>> -> memref<128x128xf32, #tpu.memory_space<hbm>>
        %dma_wait3A_243 = arith.constant 0 : i32
        %dma_wait3A_244 = arith.constant 0 : i32
        %dma_wait3A_245 = tpu.memref_slice %dma_wait3A_242[%dma_wait3A_243, %dma_wait3A_244] : memref<128x128xf32, #tpu.memory_space<hbm>> -> memref<128x64xf32, #tpu.memory_space<hbm>>
        tpu.wait_dma2 semaphore(%arg17 : memref<!tpu.dma_semaphore, #tpu.memory_space<semaphore_mem>>) src(%arg11 : memref<128x64xf32, #tpu.memory_space<vmem>>) dst(%dma_wait3A_245 : memref<128x64xf32, #tpu.memory_space<hbm>>)
        %dma_wait3A_246 = arith.constant 0 : i32
        %dma_wait3A_247 = tpu.memref_slice %arg6[%sub3A_233, %mul3A_2, %dma_wait3A_246] : memref<200x4096x128xf32, #tpu.memory_space<hbm>> -> memref<1x128x128xf32, #tpu.memory_space<hbm>>
        %dma_wait3A_248 = tpu.memref_squeeze %dma_wait3A_247 : memref<1x128x128xf32, #tpu.memory_space<hbm>> -> memref<128x128xf32, #tpu.memory_space<hbm>>
        %dma_wait3A_249 = arith.constant 0 : i32
        %dma_wait3A_250 = arith.constant 64 : i32
        %dma_wait3A_251 = tpu.memref_slice %dma_wait3A_248[%dma_wait3A_249, %dma_wait3A_250] : memref<128x128xf32, #tpu.memory_space<hbm>> -> memref<128x64xf32, #tpu.memory_space<hbm>>
        %dma_wait3A_252 = arith.constant 0 : i32
        %dma_wait3A_253 = tpu.memref_slice %arg6[%sub3A_233, %mul3A_2, %dma_wait3A_252] : memref<200x4096x128xf32, #tpu.memory_space<hbm>> -> memref<1x128x128xf32, #tpu.memory_space<hbm>>
        %dma_wait3A_254 = tpu.memref_squeeze %dma_wait3A_253 : memref<1x128x128xf32, #tpu.memory_space<hbm>> -> memref<128x128xf32, #tpu.memory_space<hbm>>
        %dma_wait3A_255 = arith.constant 0 : i32
        %dma_wait3A_256 = arith.constant 64 : i32
        %dma_wait3A_257 = tpu.memref_slice %dma_wait3A_254[%dma_wait3A_255, %dma_wait3A_256] : memref<128x128xf32, #tpu.memory_space<hbm>> -> memref<128x64xf32, #tpu.memory_space<hbm>>
        tpu.wait_dma2 semaphore(%arg17 : memref<!tpu.dma_semaphore, #tpu.memory_space<semaphore_mem>>) src(%arg13 : memref<128x64xf32, #tpu.memory_space<vmem>>) dst(%dma_wait3A_257 : memref<128x64xf32, #tpu.memory_space<hbm>>)
      } else {
      }
      %add3A_98 = arith.constant 1 : i32
      %add3A_99 = arith.addi %mul3A_83, %add3A_98 : i32
      %rem3A_100 = arith.constant 16 : i32
      %rem3A_101 = arith.remsi %add3A_99, %rem3A_100 : i32
      %dma_start3A_102 = arith.constant 0 : i32
      %dma_start3A_103 = arith.constant 0 : i32
      %dma_start3A_104 = tpu.memref_slice %arg7[%rem3A_101, %dma_start3A_102, %dma_start3A_103] : memref<16x2x128xi32, #tpu.memory_space<vmem>> -> memref<1x1x128xi32, #tpu.memory_space<vmem>>
      %dma_start3A_105 = tpu.memref_squeeze %dma_start3A_104 : memref<1x1x128xi32, #tpu.memory_space<vmem>> -> memref<128xi32, #tpu.memory_space<vmem>>
      %dma_start3A_106 = arith.constant 0 : i32
      %dma_start3A_107 = arith.constant 0 : i32
      %dma_start3A_108 = tpu.memref_slice %arg2[%dma_start3A_106, %dma_start3A_107] : memref<100000x64xf32, #tpu.memory_space<hbm>> -> memref<100000x64xf32, #tpu.memory_space<hbm>>
      tpu.enqueue_indirect_dma source(%dma_start3A_108 : memref<100000x64xf32, #tpu.memory_space<hbm>>) target(%arg11 : memref<128x64xf32, #tpu.memory_space<vmem>>) offsets(%dma_start3A_105 : memref<128xi32, #tpu.memory_space<vmem>>) semaphore(%arg15 : memref<!tpu.dma_semaphore, #tpu.memory_space<semaphore_mem>>)
      %dma_start3A_109 = arith.constant 1 : i32
      %dma_start3A_110 = arith.constant 0 : i32
      %dma_start3A_111 = tpu.memref_slice %arg7[%rem3A_101, %dma_start3A_109, %dma_start3A_110] : memref<16x2x128xi32, #tpu.memory_space<vmem>> -> memref<1x1x128xi32, #tpu.memory_space<vmem>>
      %dma_start3A_112 = tpu.memref_squeeze %dma_start3A_111 : memref<1x1x128xi32, #tpu.memory_space<vmem>> -> memref<128xi32, #tpu.memory_space<vmem>>
      %dma_start3A_113 = arith.constant 0 : i32
      %dma_start3A_114 = arith.constant 0 : i32
      %dma_start3A_115 = tpu.memref_slice %arg3[%dma_start3A_113, %dma_start3A_114] : memref<100000x64xf32, #tpu.memory_space<hbm>> -> memref<100000x64xf32, #tpu.memory_space<hbm>>
      tpu.enqueue_indirect_dma source(%dma_start3A_115 : memref<100000x64xf32, #tpu.memory_space<hbm>>) target(%arg12 : memref<128x64xf32, #tpu.memory_space<vmem>>) offsets(%dma_start3A_112 : memref<128xi32, #tpu.memory_space<vmem>>) semaphore(%arg15 : memref<!tpu.dma_semaphore, #tpu.memory_space<semaphore_mem>>)
      %dma_start3A_116 = arith.constant 1 : i32
      %dma_start3A_117 = arith.constant 0 : i32
      %dma_start3A_118 = tpu.memref_slice %arg7[%rem3A_101, %dma_start3A_116, %dma_start3A_117] : memref<16x2x128xi32, #tpu.memory_space<vmem>> -> memref<1x1x128xi32, #tpu.memory_space<vmem>>
      %dma_start3A_119 = tpu.memref_squeeze %dma_start3A_118 : memref<1x1x128xi32, #tpu.memory_space<vmem>> -> memref<128xi32, #tpu.memory_space<vmem>>
      %dma_start3A_120 = arith.constant 0 : i32
      %dma_start3A_121 = arith.constant 0 : i32
      %dma_start3A_122 = tpu.memref_slice %arg4[%dma_start3A_120, %dma_start3A_121] : memref<100000x64xf32, #tpu.memory_space<hbm>> -> memref<100000x64xf32, #tpu.memory_space<hbm>>
      tpu.enqueue_indirect_dma source(%dma_start3A_122 : memref<100000x64xf32, #tpu.memory_space<hbm>>) target(%arg13 : memref<128x64xf32, #tpu.memory_space<vmem>>) offsets(%dma_start3A_119 : memref<128xi32, #tpu.memory_space<vmem>>) semaphore(%arg15 : memref<!tpu.dma_semaphore, #tpu.memory_space<semaphore_mem>>)
      %rem3A_123 = arith.constant 16 : i32
      %rem3A_124 = arith.remsi %mul3A_83, %rem3A_123 : i32
      %dma_wait3A_125 = arith.constant 0 : i32
      %dma_wait3A_126 = arith.constant 0 : i32
      %dma_wait3A_127 = tpu.memref_slice %arg7[%rem3A_124, %dma_wait3A_125, %dma_wait3A_126] : memref<16x2x128xi32, #tpu.memory_space<vmem>> -> memref<1x1x128xi32, #tpu.memory_space<vmem>>
      %dma_wait3A_128 = tpu.memref_squeeze %dma_wait3A_127 : memref<1x1x128xi32, #tpu.memory_space<vmem>> -> memref<128xi32, #tpu.memory_space<vmem>>
      %dma_wait3A_129 = arith.constant 0 : i32
      %dma_wait3A_130 = arith.constant 0 : i32
      %dma_wait3A_131 = tpu.memref_slice %arg2[%dma_wait3A_129, %dma_wait3A_130] : memref<100000x64xf32, #tpu.memory_space<hbm>> -> memref<100000x64xf32, #tpu.memory_space<hbm>>
      tpu.wait_indirect_dma semaphore(%arg14 : memref<!tpu.dma_semaphore, #tpu.memory_space<semaphore_mem>>) src(%dma_wait3A_131 : memref<100000x64xf32, #tpu.memory_space<hbm>>) dst(%arg8 : memref<128x64xf32, #tpu.memory_space<vmem>>)
      %dma_wait3A_132 = arith.constant 1 : i32
      %dma_wait3A_133 = arith.constant 0 : i32
      %dma_wait3A_134 = tpu.memref_slice %arg7[%rem3A_124, %dma_wait3A_132, %dma_wait3A_133] : memref<16x2x128xi32, #tpu.memory_space<vmem>> -> memref<1x1x128xi32, #tpu.memory_space<vmem>>
      %dma_wait3A_135 = tpu.memref_squeeze %dma_wait3A_134 : memref<1x1x128xi32, #tpu.memory_space<vmem>> -> memref<128xi32, #tpu.memory_space<vmem>>
      %dma_wait3A_136 = arith.constant 0 : i32
      %dma_wait3A_137 = arith.constant 0 : i32
      %dma_wait3A_138 = tpu.memref_slice %arg3[%dma_wait3A_136, %dma_wait3A_137] : memref<100000x64xf32, #tpu.memory_space<hbm>> -> memref<100000x64xf32, #tpu.memory_space<hbm>>
      tpu.wait_indirect_dma semaphore(%arg14 : memref<!tpu.dma_semaphore, #tpu.memory_space<semaphore_mem>>) src(%dma_wait3A_138 : memref<100000x64xf32, #tpu.memory_space<hbm>>) dst(%arg9 : memref<128x64xf32, #tpu.memory_space<vmem>>)
      %dma_wait3A_139 = arith.constant 1 : i32
      %dma_wait3A_140 = arith.constant 0 : i32
      %dma_wait3A_141 = tpu.memref_slice %arg7[%rem3A_124, %dma_wait3A_139, %dma_wait3A_140] : memref<16x2x128xi32, #tpu.memory_space<vmem>> -> memref<1x1x128xi32, #tpu.memory_space<vmem>>
      %dma_wait3A_142 = tpu.memref_squeeze %dma_wait3A_141 : memref<1x1x128xi32, #tpu.memory_space<vmem>> -> memref<128xi32, #tpu.memory_space<vmem>>
      %dma_wait3A_143 = arith.constant 0 : i32
      %dma_wait3A_144 = arith.constant 0 : i32
      %dma_wait3A_145 = tpu.memref_slice %arg4[%dma_wait3A_143, %dma_wait3A_144] : memref<100000x64xf32, #tpu.memory_space<hbm>> -> memref<100000x64xf32, #tpu.memory_space<hbm>>
      tpu.wait_indirect_dma semaphore(%arg14 : memref<!tpu.dma_semaphore, #tpu.memory_space<semaphore_mem>>) src(%dma_wait3A_145 : memref<100000x64xf32, #tpu.memory_space<hbm>>) dst(%arg10 : memref<128x64xf32, #tpu.memory_space<vmem>>)
      %scan3A_146 = arith.constant 0 : i32
      %scan3A_147 = arith.constant 0 : i32
      %scan3A_148 = arith.constant 128 : i32
      %scan3A_149 = arith.addi %scan3A_147, %scan3A_148 : i32
      %scan3A_150 = arith.constant 1 : i32
      scf.for %scan3A_233 = %scan3A_147 to %scan3A_149 step %scan3A_150  : i32 {
        %get3A = arith.index_cast %scan3A_233 : i32 to index
        %get3A_234 = arith.constant 0 : index
        %get3A_235 = tpu.vector_load %arg8[%get3A, %get3A_234] {strides = array<i32>} : memref<128x64xf32, #tpu.memory_space<vmem>>, vector<1x16xf32>,
        %get3A_236 = vector.shape_cast %get3A_235 : vector<1x16xf32> to vector<16xf32>
        %get3A_237 = arith.index_cast %scan3A_233 : i32 to index
        %get3A_238 = arith.constant 0 : index
        %get3A_239 = tpu.vector_load %arg9[%get3A_237, %get3A_238] {strides = array<i32>} : memref<128x64xf32, #tpu.memory_space<vmem>>, vector<1x16xf32>,
        %get3A_240 = vector.shape_cast %get3A_239 : vector<1x16xf32> to vector<16xf32>
        %add3A_241 = arith.addf %get3A_236, %get3A_240 : vector<16xf32>
        %max3A = arith.constant 0.000000e+00 : f32
        %max3A_242 = vector.broadcast %max3A : f32 to vector<16xf32>
        %max3A_243 = arith.maximumf %add3A_241, %max3A_242 : vector<16xf32>
        %swap3A = arith.index_cast %scan3A_233 : i32 to index
        %swap3A_244 = arith.constant 0 : index
        %swap3A_245 = tpu.vector_load %arg8[%swap3A, %swap3A_244] {strides = array<i32>} : memref<128x64xf32, #tpu.memory_space<vmem>>, vector<1x16xf32>,
        %swap3A_246 = vector.shape_cast %swap3A_245 : vector<1x16xf32> to vector<16xf32>
        %swap3A_247 = vector.shape_cast %max3A_243 : vector<16xf32> to vector<1x16xf32>
        tpu.vector_store %arg8[%swap3A, %swap3A_244], %swap3A_247 {strides = array<i32>} : memref<128x64xf32, #tpu.memory_space<vmem>>, vector<1x16xf32>,
        %get3A_248 = arith.index_cast %scan3A_233 : i32 to index
        %get3A_249 = arith.constant 16 : index
        %get3A_250 = tpu.vector_load %arg8[%get3A_248, %get3A_249] {strides = array<i32>} : memref<128x64xf32, #tpu.memory_space<vmem>>, vector<1x16xf32>,
        %get3A_251 = vector.shape_cast %get3A_250 : vector<1x16xf32> to vector<16xf32>
        %get3A_252 = arith.index_cast %scan3A_233 : i32 to index
        %get3A_253 = arith.constant 16 : index
        %get3A_254 = tpu.vector_load %arg9[%get3A_252, %get3A_253] {strides = array<i32>} : memref<128x64xf32, #tpu.memory_space<vmem>>, vector<1x16xf32>,
        %get3A_255 = vector.shape_cast %get3A_254 : vector<1x16xf32> to vector<16xf32>
        %add3A_256 = arith.addf %get3A_251, %get3A_255 : vector<16xf32>
        %max3A_257 = arith.constant 0.000000e+00 : f32
        %max3A_258 = vector.broadcast %max3A_257 : f32 to vector<16xf32>
        %max3A_259 = arith.maximumf %add3A_256, %max3A_258 : vector<16xf32>
        %swap3A_260 = arith.index_cast %scan3A_233 : i32 to index
        %swap3A_261 = arith.constant 16 : index
        %swap3A_262 = tpu.vector_load %arg8[%swap3A_260, %swap3A_261] {strides = array<i32>} : memref<128x64xf32, #tpu.memory_space<vmem>>, vector<1x16xf32>,
        %swap3A_263 = vector.shape_cast %swap3A_262 : vector<1x16xf32> to vector<16xf32>
        %swap3A_264 = vector.shape_cast %max3A_259 : vector<16xf32> to vector<1x16xf32>
        tpu.vector_store %arg8[%swap3A_260, %swap3A_261], %swap3A_264 {strides = array<i32>} : memref<128x64xf32, #tpu.memory_space<vmem>>, vector<1x16xf32>,
        %get3A_265 = arith.index_cast %scan3A_233 : i32 to index
        %get3A_266 = arith.constant 32 : index
        %get3A_267 = tpu.vector_load %arg8[%get3A_265, %get3A_266] {strides = array<i32>} : memref<128x64xf32, #tpu.memory_space<vmem>>, vector<1x16xf32>,
        %get3A_268 = vector.shape_cast %get3A_267 : vector<1x16xf32> to vector<16xf32>
        %get3A_269 = arith.index_cast %scan3A_233 : i32 to index
        %get3A_270 = arith.constant 32 : index
        %get3A_271 = tpu.vector_load %arg9[%get3A_269, %get3A_270] {strides = array<i32>} : memref<128x64xf32, #tpu.memory_space<vmem>>, vector<1x16xf32>,
        %get3A_272 = vector.shape_cast %get3A_271 : vector<1x16xf32> to vector<16xf32>
        %add3A_273 = arith.addf %get3A_268, %get3A_272 : vector<16xf32>
        %max3A_274 = arith.constant 0.000000e+00 : f32
        %max3A_275 = vector.broadcast %max3A_274 : f32 to vector<16xf32>
        %max3A_276 = arith.maximumf %add3A_273, %max3A_275 : vector<16xf32>
        %swap3A_277 = arith.index_cast %scan3A_233 : i32 to index
        %swap3A_278 = arith.constant 32 : index
        %swap3A_279 = tpu.vector_load %arg8[%swap3A_277, %swap3A_278] {strides = array<i32>} : memref<128x64xf32, #tpu.memory_space<vmem>>, vector<1x16xf32>,
        %swap3A_280 = vector.shape_cast %swap3A_279 : vector<1x16xf32> to vector<16xf32>
        %swap3A_281 = vector.shape_cast %max3A_276 : vector<16xf32> to vector<1x16xf32>
        tpu.vector_store %arg8[%swap3A_277, %swap3A_278], %swap3A_281 {strides = array<i32>} : memref<128x64xf32, #tpu.memory_space<vmem>>, vector<1x16xf32>,
        %get3A_282 = arith.index_cast %scan3A_233 : i32 to index
        %get3A_283 = arith.constant 48 : index
        %get3A_284 = tpu.vector_load %arg8[%get3A_282, %get3A_283] {strides = array<i32>} : memref<128x64xf32, #tpu.memory_space<vmem>>, vector<1x16xf32>,
        %get3A_285 = vector.shape_cast %get3A_284 : vector<1x16xf32> to vector<16xf32>
        %get3A_286 = arith.index_cast %scan3A_233 : i32 to index
        %get3A_287 = arith.constant 48 : index
        %get3A_288 = tpu.vector_load %arg9[%get3A_286, %get3A_287] {strides = array<i32>} : memref<128x64xf32, #tpu.memory_space<vmem>>, vector<1x16xf32>,
        %get3A_289 = vector.shape_cast %get3A_288 : vector<1x16xf32> to vector<16xf32>
        %add3A_290 = arith.addf %get3A_285, %get3A_289 : vector<16xf32>
        %max3A_291 = arith.constant 0.000000e+00 : f32
        %max3A_292 = vector.broadcast %max3A_291 : f32 to vector<16xf32>
        %max3A_293 = arith.maximumf %add3A_290, %max3A_292 : vector<16xf32>
        %swap3A_294 = arith.index_cast %scan3A_233 : i32 to index
        %swap3A_295 = arith.constant 48 : index
        %swap3A_296 = tpu.vector_load %arg8[%swap3A_294, %swap3A_295] {strides = array<i32>} : memref<128x64xf32, #tpu.memory_space<vmem>>, vector<1x16xf32>,
        %swap3A_297 = vector.shape_cast %swap3A_296 : vector<1x16xf32> to vector<16xf32>
        %swap3A_298 = vector.shape_cast %max3A_293 : vector<16xf32> to vector<1x16xf32>
        tpu.vector_store %arg8[%swap3A_294, %swap3A_295], %swap3A_298 {strides = array<i32>} : memref<128x64xf32, #tpu.memory_space<vmem>>, vector<1x16xf32>,
      }
      %scan3A_151 = arith.constant 128 : i32
      %dma_start3A_152 = arith.constant 0 : i32
      %dma_start3A_153 = tpu.memref_slice %arg6[%mul3A_83, %mul3A_2, %dma_start3A_152] : memref<200x4096x128xf32, #tpu.memory_space<hbm>> -> memref<1x128x128xf32, #tpu.memory_space<hbm>>
      %dma_start3A_154 = tpu.memref_squeeze %dma_start3A_153 : memref<1x128x128xf32, #tpu.memory_space<hbm>> -> memref<128x128xf32, #tpu.memory_space<hbm>>
      %dma_start3A_155 = arith.constant 0 : i32
      %dma_start3A_156 = arith.constant 0 : i32
      %dma_start3A_157 = tpu.memref_slice %dma_start3A_154[%dma_start3A_155, %dma_start3A_156] : memref<128x128xf32, #tpu.memory_space<hbm>> -> memref<128x64xf32, #tpu.memory_space<hbm>>
      %dma_start3A_158 = arith.constant 0 : i32
      %dma_start3A_159 = tpu.memref_slice %arg6[%mul3A_83, %mul3A_2, %dma_start3A_158] : memref<200x4096x128xf32, #tpu.memory_space<hbm>> -> memref<1x128x128xf32, #tpu.memory_space<hbm>>
      %dma_start3A_160 = tpu.memref_squeeze %dma_start3A_159 : memref<1x128x128xf32, #tpu.memory_space<hbm>> -> memref<128x128xf32, #tpu.memory_space<hbm>>
      %dma_start3A_161 = arith.constant 0 : i32
      %dma_start3A_162 = arith.constant 0 : i32
      %dma_start3A_163 = tpu.memref_slice %dma_start3A_160[%dma_start3A_161, %dma_start3A_162] : memref<128x128xf32, #tpu.memory_space<hbm>> -> memref<128x64xf32, #tpu.memory_space<hbm>>
      tpu.enqueue_dma source(%arg8 : memref<128x64xf32, #tpu.memory_space<vmem>>) target(%dma_start3A_163 : memref<128x64xf32, #tpu.memory_space<hbm>>) target_semaphore(%arg16 : memref<!tpu.dma_semaphore, #tpu.memory_space<semaphore_mem>>)
      %dma_start3A_164 = arith.constant 0 : i32
      %dma_start3A_165 = tpu.memref_slice %arg6[%mul3A_83, %mul3A_2, %dma_start3A_164] : memref<200x4096x128xf32, #tpu.memory_space<hbm>> -> memref<1x128x128xf32, #tpu.memory_space<hbm>>
      %dma_start3A_166 = tpu.memref_squeeze %dma_start3A_165 : memref<1x128x128xf32, #tpu.memory_space<hbm>> -> memref<128x128xf32, #tpu.memory_space<hbm>>
      %dma_start3A_167 = arith.constant 0 : i32
      %dma_start3A_168 = arith.constant 64 : i32
      %dma_start3A_169 = tpu.memref_slice %dma_start3A_166[%dma_start3A_167, %dma_start3A_168] : memref<128x128xf32, #tpu.memory_space<hbm>> -> memref<128x64xf32, #tpu.memory_space<hbm>>
      %dma_start3A_170 = arith.constant 0 : i32
      %dma_start3A_171 = tpu.memref_slice %arg6[%mul3A_83, %mul3A_2, %dma_start3A_170] : memref<200x4096x128xf32, #tpu.memory_space<hbm>> -> memref<1x128x128xf32, #tpu.memory_space<hbm>>
      %dma_start3A_172 = tpu.memref_squeeze %dma_start3A_171 : memref<1x128x128xf32, #tpu.memory_space<hbm>> -> memref<128x128xf32, #tpu.memory_space<hbm>>
      %dma_start3A_173 = arith.constant 0 : i32
      %dma_start3A_174 = arith.constant 64 : i32
      %dma_start3A_175 = tpu.memref_slice %dma_start3A_172[%dma_start3A_173, %dma_start3A_174] : memref<128x128xf32, #tpu.memory_space<hbm>> -> memref<128x64xf32, #tpu.memory_space<hbm>>
      tpu.enqueue_dma source(%arg10 : memref<128x64xf32, #tpu.memory_space<vmem>>) target(%dma_start3A_175 : memref<128x64xf32, #tpu.memory_space<hbm>>) target_semaphore(%arg16 : memref<!tpu.dma_semaphore, #tpu.memory_space<semaphore_mem>>)
      %lt3A = arith.constant 99 : i32
      %lt3A_176 = arith.cmpi slt, %scan3A_81, %lt3A : i32
      %convert_element_type3A_177 = arith.extui %lt3A_176 : i1 to i32
      %cond3A_178 = arith.constant 0 : i32
      %cond3A_179 = arith.cmpi ne, %convert_element_type3A_177, %cond3A_178 : i32
      scf.if %cond3A_179 {
        %add3A_233 = arith.constant 1 : i32
        %add3A_234 = arith.addi %add3A_87, %add3A_233 : i32
        %rem3A_235 = arith.constant 16 : i32
        %rem3A_236 = arith.remsi %add3A_234, %rem3A_235 : i32
        %eq3A_237 = arith.constant 0 : i32
        %eq3A_238 = arith.cmpi eq, %rem3A_236, %eq3A_237 : i32
        %convert_element_type3A_239 = arith.extui %eq3A_238 : i1 to i32
        %cond3A_240 = arith.constant 0 : i32
        %cond3A_241 = arith.cmpi ne, %convert_element_type3A_239, %cond3A_240 : i32
        scf.if %cond3A_241 {
          %add3A_291 = arith.constant 1 : i32
          %add3A_292 = arith.addi %add3A_87, %add3A_291 : i32
          "tpu.region"() ({
            %run_scoped3A = tpu.sem_alloc : memref<!tpu.dma_semaphore, #tpu.memory_space<semaphore_mem>>
            %dma_start3A_293 = arith.constant 0 : i32
            %dma_start3A_294 = arith.constant 0 : i32
            %dma_start3A_295 = tpu.memref_slice %arg5[%add3A_292, %add3A, %dma_start3A_293, %dma_start3A_294] : memref<200x32x2x128xi32, #tpu.memory_space<hbm>> -> memref<16x1x2x128xi32, #tpu.memory_space<hbm>>
            %dma_start3A_296 = tpu.memref_squeeze %dma_start3A_295 : memref<16x1x2x128xi32, #tpu.memory_space<hbm>> -> memref<16x2x128xi32, #tpu.memory_space<hbm>>
            %dma_start3A_297 = arith.constant 0 : i32
            %dma_start3A_298 = arith.constant 0 : i32
            %dma_start3A_299 = tpu.memref_slice %arg5[%add3A_292, %add3A, %dma_start3A_297, %dma_start3A_298] : memref<200x32x2x128xi32, #tpu.memory_space<hbm>> -> memref<16x1x2x128xi32, #tpu.memory_space<hbm>>
            %dma_start3A_300 = tpu.memref_squeeze %dma_start3A_299 : memref<16x1x2x128xi32, #tpu.memory_space<hbm>> -> memref<16x2x128xi32, #tpu.memory_space<hbm>>
            tpu.enqueue_dma source(%dma_start3A_300 : memref<16x2x128xi32, #tpu.memory_space<hbm>>) target(%arg7 : memref<16x2x128xi32, #tpu.memory_space<vmem>>) target_semaphore(%run_scoped3A : memref<!tpu.dma_semaphore, #tpu.memory_space<semaphore_mem>>)
            %dma_wait3A_301 = arith.constant 0 : i32
            %dma_wait3A_302 = arith.constant 0 : i32
            %dma_wait3A_303 = tpu.memref_slice %arg5[%add3A_292, %add3A, %dma_wait3A_301, %dma_wait3A_302] : memref<200x32x2x128xi32, #tpu.memory_space<hbm>> -> memref<16x1x2x128xi32, #tpu.memory_space<hbm>>
            %dma_wait3A_304 = tpu.memref_squeeze %dma_wait3A_303 : memref<16x1x2x128xi32, #tpu.memory_space<hbm>> -> memref<16x2x128xi32, #tpu.memory_space<hbm>>
            %dma_wait3A_305 = arith.constant 0 : i32
            %dma_wait3A_306 = arith.constant 0 : i32
            %dma_wait3A_307 = tpu.memref_slice %arg5[%add3A_292, %add3A, %dma_wait3A_305, %dma_wait3A_306] : memref<200x32x2x128xi32, #tpu.memory_space<hbm>> -> memref<16x1x2x128xi32, #tpu.memory_space<hbm>>
            %dma_wait3A_308 = tpu.memref_squeeze %dma_wait3A_307 : memref<16x1x2x128xi32, #tpu.memory_space<hbm>> -> memref<16x2x128xi32, #tpu.memory_space<hbm>>
            tpu.wait_dma2 semaphore(%run_scoped3A : memref<!tpu.dma_semaphore, #tpu.memory_space<semaphore_mem>>) src(%dma_wait3A_308 : memref<16x2x128xi32, #tpu.memory_space<hbm>>) dst(%arg7 : memref<16x2x128xi32, #tpu.memory_space<vmem>>)
            tpu.yield
          }) : () -> ()
        } else {
        }
        %dma_wait3A_242 = arith.constant 0 : i32
        %dma_wait3A_243 = tpu.memref_slice %arg6[%mul3A_83, %mul3A_2, %dma_wait3A_242] : memref<200x4096x128xf32, #tpu.memory_space<hbm>> -> memref<1x128x128xf32, #tpu.memory_space<hbm>>
        %dma_wait3A_244 = tpu.memref_squeeze %dma_wait3A_243 : memref<1x128x128xf32, #tpu.memory_space<hbm>> -> memref<128x128xf32, #tpu.memory_space<hbm>>
        %dma_wait3A_245 = arith.constant 0 : i32
        %dma_wait3A_246 = arith.constant 0 : i32
        %dma_wait3A_247 = tpu.memref_slice %dma_wait3A_244[%dma_wait3A_245, %dma_wait3A_246] : memref<128x128xf32, #tpu.memory_space<hbm>> -> memref<128x64xf32, #tpu.memory_space<hbm>>
        %dma_wait3A_248 = arith.constant 0 : i32
        %dma_wait3A_249 = tpu.memref_slice %arg6[%mul3A_83, %mul3A_2, %dma_wait3A_248] : memref<200x4096x128xf32, #tpu.memory_space<hbm>> -> memref<1x128x128xf32, #tpu.memory_space<hbm>>
        %dma_wait3A_250 = tpu.memref_squeeze %dma_wait3A_249 : memref<1x128x128xf32, #tpu.memory_space<hbm>> -> memref<128x128xf32, #tpu.memory_space<hbm>>
        %dma_wait3A_251 = arith.constant 0 : i32
        %dma_wait3A_252 = arith.constant 0 : i32
        %dma_wait3A_253 = tpu.memref_slice %dma_wait3A_250[%dma_wait3A_251, %dma_wait3A_252] : memref<128x128xf32, #tpu.memory_space<hbm>> -> memref<128x64xf32, #tpu.memory_space<hbm>>
        tpu.wait_dma2 semaphore(%arg16 : memref<!tpu.dma_semaphore, #tpu.memory_space<semaphore_mem>>) src(%arg8 : memref<128x64xf32, #tpu.memory_space<vmem>>) dst(%dma_wait3A_253 : memref<128x64xf32, #tpu.memory_space<hbm>>)
        %dma_wait3A_254 = arith.constant 0 : i32
        %dma_wait3A_255 = tpu.memref_slice %arg6[%mul3A_83, %mul3A_2, %dma_wait3A_254] : memref<200x4096x128xf32, #tpu.memory_space<hbm>> -> memref<1x128x128xf32, #tpu.memory_space<hbm>>
        %dma_wait3A_256 = tpu.memref_squeeze %dma_wait3A_255 : memref<1x128x128xf32, #tpu.memory_space<hbm>> -> memref<128x128xf32, #tpu.memory_space<hbm>>
        %dma_wait3A_257 = arith.constant 0 : i32
        %dma_wait3A_258 = arith.constant 64 : i32
        %dma_wait3A_259 = tpu.memref_slice %dma_wait3A_256[%dma_wait3A_257, %dma_wait3A_258] : memref<128x128xf32, #tpu.memory_space<hbm>> -> memref<128x64xf32, #tpu.memory_space<hbm>>
        %dma_wait3A_260 = arith.constant 0 : i32
        %dma_wait3A_261 = tpu.memref_slice %arg6[%mul3A_83, %mul3A_2, %dma_wait3A_260] : memref<200x4096x128xf32, #tpu.memory_space<hbm>> -> memref<1x128x128xf32, #tpu.memory_space<hbm>>
        %dma_wait3A_262 = tpu.memref_squeeze %dma_wait3A_261 : memref<1x128x128xf32, #tpu.memory_space<hbm>> -> memref<128x128xf32, #tpu.memory_space<hbm>>
        %dma_wait3A_263 = arith.constant 0 : i32
        %dma_wait3A_264 = arith.constant 64 : i32
        %dma_wait3A_265 = tpu.memref_slice %dma_wait3A_262[%dma_wait3A_263, %dma_wait3A_264] : memref<128x128xf32, #tpu.memory_space<hbm>> -> memref<128x64xf32, #tpu.memory_space<hbm>>
        tpu.wait_dma2 semaphore(%arg16 : memref<!tpu.dma_semaphore, #tpu.memory_space<semaphore_mem>>) src(%arg10 : memref<128x64xf32, #tpu.memory_space<vmem>>) dst(%dma_wait3A_265 : memref<128x64xf32, #tpu.memory_space<hbm>>)
        %add3A_266 = arith.constant 1 : i32
        %add3A_267 = arith.addi %add3A_87, %add3A_266 : i32
        %rem3A_268 = arith.constant 16 : i32
        %rem3A_269 = arith.remsi %add3A_267, %rem3A_268 : i32
        %dma_start3A_270 = arith.constant 0 : i32
        %dma_start3A_271 = arith.constant 0 : i32
        %dma_start3A_272 = tpu.memref_slice %arg7[%rem3A_269, %dma_start3A_270, %dma_start3A_271] : memref<16x2x128xi32, #tpu.memory_space<vmem>> -> memref<1x1x128xi32, #tpu.memory_space<vmem>>
        %dma_start3A_273 = tpu.memref_squeeze %dma_start3A_272 : memref<1x1x128xi32, #tpu.memory_space<vmem>> -> memref<128xi32, #tpu.memory_space<vmem>>
        %dma_start3A_274 = arith.constant 0 : i32
        %dma_start3A_275 = arith.constant 0 : i32
        %dma_start3A_276 = tpu.memref_slice %arg2[%dma_start3A_274, %dma_start3A_275] : memref<100000x64xf32, #tpu.memory_space<hbm>> -> memref<100000x64xf32, #tpu.memory_space<hbm>>
        tpu.enqueue_indirect_dma source(%dma_start3A_276 : memref<100000x64xf32, #tpu.memory_space<hbm>>) target(%arg8 : memref<128x64xf32, #tpu.memory_space<vmem>>) offsets(%dma_start3A_273 : memref<128xi32, #tpu.memory_space<vmem>>) semaphore(%arg14 : memref<!tpu.dma_semaphore, #tpu.memory_space<semaphore_mem>>)
        %dma_start3A_277 = arith.constant 1 : i32
        %dma_start3A_278 = arith.constant 0 : i32
        %dma_start3A_279 = tpu.memref_slice %arg7[%rem3A_269, %dma_start3A_277, %dma_start3A_278] : memref<16x2x128xi32, #tpu.memory_space<vmem>> -> memref<1x1x128xi32, #tpu.memory_space<vmem>>
        %dma_start3A_280 = tpu.memref_squeeze %dma_start3A_279 : memref<1x1x128xi32, #tpu.memory_space<vmem>> -> memref<128xi32, #tpu.memory_space<vmem>>
        %dma_start3A_281 = arith.constant 0 : i32
        %dma_start3A_282 = arith.constant 0 : i32
        %dma_start3A_283 = tpu.memref_slice %arg3[%dma_start3A_281, %dma_start3A_282] : memref<100000x64xf32, #tpu.memory_space<hbm>> -> memref<100000x64xf32, #tpu.memory_space<hbm>>
        tpu.enqueue_indirect_dma source(%dma_start3A_283 : memref<100000x64xf32, #tpu.memory_space<hbm>>) target(%arg9 : memref<128x64xf32, #tpu.memory_space<vmem>>) offsets(%dma_start3A_280 : memref<128xi32, #tpu.memory_space<vmem>>) semaphore(%arg14 : memref<!tpu.dma_semaphore, #tpu.memory_space<semaphore_mem>>)
        %dma_start3A_284 = arith.constant 1 : i32
        %dma_start3A_285 = arith.constant 0 : i32
        %dma_start3A_286 = tpu.memref_slice %arg7[%rem3A_269, %dma_start3A_284, %dma_start3A_285] : memref<16x2x128xi32, #tpu.memory_space<vmem>> -> memref<1x1x128xi32, #tpu.memory_space<vmem>>
        %dma_start3A_287 = tpu.memref_squeeze %dma_start3A_286 : memref<1x1x128xi32, #tpu.memory_space<vmem>> -> memref<128xi32, #tpu.memory_space<vmem>>
        %dma_start3A_288 = arith.constant 0 : i32
        %dma_start3A_289 = arith.constant 0 : i32
        %dma_start3A_290 = tpu.memref_slice %arg4[%dma_start3A_288, %dma_start3A_289] : memref<100000x64xf32, #tpu.memory_space<hbm>> -> memref<100000x64xf32, #tpu.memory_space<hbm>>
        tpu.enqueue_indirect_dma source(%dma_start3A_290 : memref<100000x64xf32, #tpu.memory_space<hbm>>) target(%arg10 : memref<128x64xf32, #tpu.memory_space<vmem>>) offsets(%dma_start3A_287 : memref<128xi32, #tpu.memory_space<vmem>>) semaphore(%arg14 : memref<!tpu.dma_semaphore, #tpu.memory_space<semaphore_mem>>)
      } else {
      }
      %rem3A_180 = arith.constant 16 : i32
      %rem3A_181 = arith.remsi %add3A_87, %rem3A_180 : i32
      %dma_wait3A_182 = arith.constant 0 : i32
      %dma_wait3A_183 = arith.constant 0 : i32
      %dma_wait3A_184 = tpu.memref_slice %arg7[%rem3A_181, %dma_wait3A_182, %dma_wait3A_183] : memref<16x2x128xi32, #tpu.memory_space<vmem>> -> memref<1x1x128xi32, #tpu.memory_space<vmem>>
      %dma_wait3A_185 = tpu.memref_squeeze %dma_wait3A_184 : memref<1x1x128xi32, #tpu.memory_space<vmem>> -> memref<128xi32, #tpu.memory_space<vmem>>
      %dma_wait3A_186 = arith.constant 0 : i32
      %dma_wait3A_187 = arith.constant 0 : i32
      %dma_wait3A_188 = tpu.memref_slice %arg2[%dma_wait3A_186, %dma_wait3A_187] : memref<100000x64xf32, #tpu.memory_space<hbm>> -> memref<100000x64xf32, #tpu.memory_space<hbm>>
      tpu.wait_indirect_dma semaphore(%arg15 : memref<!tpu.dma_semaphore, #tpu.memory_space<semaphore_mem>>) src(%dma_wait3A_188 : memref<100000x64xf32, #tpu.memory_space<hbm>>) dst(%arg11 : memref<128x64xf32, #tpu.memory_space<vmem>>)
      %dma_wait3A_189 = arith.constant 1 : i32
      %dma_wait3A_190 = arith.constant 0 : i32
      %dma_wait3A_191 = tpu.memref_slice %arg7[%rem3A_181, %dma_wait3A_189, %dma_wait3A_190] : memref<16x2x128xi32, #tpu.memory_space<vmem>> -> memref<1x1x128xi32, #tpu.memory_space<vmem>>
      %dma_wait3A_192 = tpu.memref_squeeze %dma_wait3A_191 : memref<1x1x128xi32, #tpu.memory_space<vmem>> -> memref<128xi32, #tpu.memory_space<vmem>>
      %dma_wait3A_193 = arith.constant 0 : i32
      %dma_wait3A_194 = arith.constant 0 : i32
      %dma_wait3A_195 = tpu.memref_slice %arg3[%dma_wait3A_193, %dma_wait3A_194] : memref<100000x64xf32, #tpu.memory_space<hbm>> -> memref<100000x64xf32, #tpu.memory_space<hbm>>
      tpu.wait_indirect_dma semaphore(%arg15 : memref<!tpu.dma_semaphore, #tpu.memory_space<semaphore_mem>>) src(%dma_wait3A_195 : memref<100000x64xf32, #tpu.memory_space<hbm>>) dst(%arg12 : memref<128x64xf32, #tpu.memory_space<vmem>>)
      %dma_wait3A_196 = arith.constant 1 : i32
      %dma_wait3A_197 = arith.constant 0 : i32
      %dma_wait3A_198 = tpu.memref_slice %arg7[%rem3A_181, %dma_wait3A_196, %dma_wait3A_197] : memref<16x2x128xi32, #tpu.memory_space<vmem>> -> memref<1x1x128xi32, #tpu.memory_space<vmem>>
      %dma_wait3A_199 = tpu.memref_squeeze %dma_wait3A_198 : memref<1x1x128xi32, #tpu.memory_space<vmem>> -> memref<128xi32, #tpu.memory_space<vmem>>
      %dma_wait3A_200 = arith.constant 0 : i32
      %dma_wait3A_201 = arith.constant 0 : i32
      %dma_wait3A_202 = tpu.memref_slice %arg4[%dma_wait3A_200, %dma_wait3A_201] : memref<100000x64xf32, #tpu.memory_space<hbm>> -> memref<100000x64xf32, #tpu.memory_space<hbm>>
      tpu.wait_indirect_dma semaphore(%arg15 : memref<!tpu.dma_semaphore, #tpu.memory_space<semaphore_mem>>) src(%dma_wait3A_202 : memref<100000x64xf32, #tpu.memory_space<hbm>>) dst(%arg13 : memref<128x64xf32, #tpu.memory_space<vmem>>)
      %scan3A_203 = arith.constant 0 : i32
      %scan3A_204 = arith.constant 0 : i32
      %scan3A_205 = arith.constant 128 : i32
      %scan3A_206 = arith.addi %scan3A_204, %scan3A_205 : i32
      %scan3A_207 = arith.constant 1 : i32
      scf.for %scan3A_233 = %scan3A_204 to %scan3A_206 step %scan3A_207  : i32 {
        %get3A = arith.index_cast %scan3A_233 : i32 to index
        %get3A_234 = arith.constant 0 : index
        %get3A_235 = tpu.vector_load %arg11[%get3A, %get3A_234] {strides = array<i32>} : memref<128x64xf32, #tpu.memory_space<vmem>>, vector<1x16xf32>,
        %get3A_236 = vector.shape_cast %get3A_235 : vector<1x16xf32> to vector<16xf32>
        %get3A_237 = arith.index_cast %scan3A_233 : i32 to index
        %get3A_238 = arith.constant 0 : index
        %get3A_239 = tpu.vector_load %arg12[%get3A_237, %get3A_238] {strides = array<i32>} : memref<128x64xf32, #tpu.memory_space<vmem>>, vector<1x16xf32>,
        %get3A_240 = vector.shape_cast %get3A_239 : vector<1x16xf32> to vector<16xf32>
        %add3A_241 = arith.addf %get3A_236, %get3A_240 : vector<16xf32>
        %max3A = arith.constant 0.000000e+00 : f32
        %max3A_242 = vector.broadcast %max3A : f32 to vector<16xf32>
        %max3A_243 = arith.maximumf %add3A_241, %max3A_242 : vector<16xf32>
        %swap3A = arith.index_cast %scan3A_233 : i32 to index
        %swap3A_244 = arith.constant 0 : index
        %swap3A_245 = tpu.vector_load %arg11[%swap3A, %swap3A_244] {strides = array<i32>} : memref<128x64xf32, #tpu.memory_space<vmem>>, vector<1x16xf32>,
        %swap3A_246 = vector.shape_cast %swap3A_245 : vector<1x16xf32> to vector<16xf32>
        %swap3A_247 = vector.shape_cast %max3A_243 : vector<16xf32> to vector<1x16xf32>
        tpu.vector_store %arg11[%swap3A, %swap3A_244], %swap3A_247 {strides = array<i32>} : memref<128x64xf32, #tpu.memory_space<vmem>>, vector<1x16xf32>,
        %get3A_248 = arith.index_cast %scan3A_233 : i32 to index
        %get3A_249 = arith.constant 16 : index
        %get3A_250 = tpu.vector_load %arg11[%get3A_248, %get3A_249] {strides = array<i32>} : memref<128x64xf32, #tpu.memory_space<vmem>>, vector<1x16xf32>,
        %get3A_251 = vector.shape_cast %get3A_250 : vector<1x16xf32> to vector<16xf32>
        %get3A_252 = arith.index_cast %scan3A_233 : i32 to index
        %get3A_253 = arith.constant 16 : index
        %get3A_254 = tpu.vector_load %arg12[%get3A_252, %get3A_253] {strides = array<i32>} : memref<128x64xf32, #tpu.memory_space<vmem>>, vector<1x16xf32>,
        %get3A_255 = vector.shape_cast %get3A_254 : vector<1x16xf32> to vector<16xf32>
        %add3A_256 = arith.addf %get3A_251, %get3A_255 : vector<16xf32>
        %max3A_257 = arith.constant 0.000000e+00 : f32
        %max3A_258 = vector.broadcast %max3A_257 : f32 to vector<16xf32>
        %max3A_259 = arith.maximumf %add3A_256, %max3A_258 : vector<16xf32>
        %swap3A_260 = arith.index_cast %scan3A_233 : i32 to index
        %swap3A_261 = arith.constant 16 : index
        %swap3A_262 = tpu.vector_load %arg11[%swap3A_260, %swap3A_261] {strides = array<i32>} : memref<128x64xf32, #tpu.memory_space<vmem>>, vector<1x16xf32>,
        %swap3A_263 = vector.shape_cast %swap3A_262 : vector<1x16xf32> to vector<16xf32>
        %swap3A_264 = vector.shape_cast %max3A_259 : vector<16xf32> to vector<1x16xf32>
        tpu.vector_store %arg11[%swap3A_260, %swap3A_261], %swap3A_264 {strides = array<i32>} : memref<128x64xf32, #tpu.memory_space<vmem>>, vector<1x16xf32>,
        %get3A_265 = arith.index_cast %scan3A_233 : i32 to index
        %get3A_266 = arith.constant 32 : index
        %get3A_267 = tpu.vector_load %arg11[%get3A_265, %get3A_266] {strides = array<i32>} : memref<128x64xf32, #tpu.memory_space<vmem>>, vector<1x16xf32>,
        %get3A_268 = vector.shape_cast %get3A_267 : vector<1x16xf32> to vector<16xf32>
        %get3A_269 = arith.index_cast %scan3A_233 : i32 to index
        %get3A_270 = arith.constant 32 : index
        %get3A_271 = tpu.vector_load %arg12[%get3A_269, %get3A_270] {strides = array<i32>} : memref<128x64xf32, #tpu.memory_space<vmem>>, vector<1x16xf32>,
        %get3A_272 = vector.shape_cast %get3A_271 : vector<1x16xf32> to vector<16xf32>
        %add3A_273 = arith.addf %get3A_268, %get3A_272 : vector<16xf32>
        %max3A_274 = arith.constant 0.000000e+00 : f32
        %max3A_275 = vector.broadcast %max3A_274 : f32 to vector<16xf32>
        %max3A_276 = arith.maximumf %add3A_273, %max3A_275 : vector<16xf32>
        %swap3A_277 = arith.index_cast %scan3A_233 : i32 to index
        %swap3A_278 = arith.constant 32 : index
        %swap3A_279 = tpu.vector_load %arg11[%swap3A_277, %swap3A_278] {strides = array<i32>} : memref<128x64xf32, #tpu.memory_space<vmem>>, vector<1x16xf32>,
        %swap3A_280 = vector.shape_cast %swap3A_279 : vector<1x16xf32> to vector<16xf32>
        %swap3A_281 = vector.shape_cast %max3A_276 : vector<16xf32> to vector<1x16xf32>
        tpu.vector_store %arg11[%swap3A_277, %swap3A_278], %swap3A_281 {strides = array<i32>} : memref<128x64xf32, #tpu.memory_space<vmem>>, vector<1x16xf32>,
        %get3A_282 = arith.index_cast %scan3A_233 : i32 to index
        %get3A_283 = arith.constant 48 : index
        %get3A_284 = tpu.vector_load %arg11[%get3A_282, %get3A_283] {strides = array<i32>} : memref<128x64xf32, #tpu.memory_space<vmem>>, vector<1x16xf32>,
        %get3A_285 = vector.shape_cast %get3A_284 : vector<1x16xf32> to vector<16xf32>
        %get3A_286 = arith.index_cast %scan3A_233 : i32 to index
        %get3A_287 = arith.constant 48 : index
        %get3A_288 = tpu.vector_load %arg12[%get3A_286, %get3A_287] {strides = array<i32>} : memref<128x64xf32, #tpu.memory_space<vmem>>, vector<1x16xf32>,
        %get3A_289 = vector.shape_cast %get3A_288 : vector<1x16xf32> to vector<16xf32>
        %add3A_290 = arith.addf %get3A_285, %get3A_289 : vector<16xf32>
        %max3A_291 = arith.constant 0.000000e+00 : f32
        %max3A_292 = vector.broadcast %max3A_291 : f32 to vector<16xf32>
        %max3A_293 = arith.maximumf %add3A_290, %max3A_292 : vector<16xf32>
        %swap3A_294 = arith.index_cast %scan3A_233 : i32 to index
        %swap3A_295 = arith.constant 48 : index
        %swap3A_296 = tpu.vector_load %arg11[%swap3A_294, %swap3A_295] {strides = array<i32>} : memref<128x64xf32, #tpu.memory_space<vmem>>, vector<1x16xf32>,
        %swap3A_297 = vector.shape_cast %swap3A_296 : vector<1x16xf32> to vector<16xf32>
        %swap3A_298 = vector.shape_cast %max3A_293 : vector<16xf32> to vector<1x16xf32>
        tpu.vector_store %arg11[%swap3A_294, %swap3A_295], %swap3A_298 {strides = array<i32>} : memref<128x64xf32, #tpu.memory_space<vmem>>, vector<1x16xf32>,
      }
      %scan3A_208 = arith.constant 128 : i32
      %dma_start3A_209 = arith.constant 0 : i32
      %dma_start3A_210 = tpu.memref_slice %arg6[%add3A_87, %mul3A_2, %dma_start3A_209] : memref<200x4096x128xf32, #tpu.memory_space<hbm>> -> memref<1x128x128xf32, #tpu.memory_space<hbm>>
      %dma_start3A_211 = tpu.memref_squeeze %dma_start3A_210 : memref<1x128x128xf32, #tpu.memory_space<hbm>> -> memref<128x128xf32, #tpu.memory_space<hbm>>
      %dma_start3A_212 = arith.constant 0 : i32
      %dma_start3A_213 = arith.constant 0 : i32
      %dma_start3A_214 = tpu.memref_slice %dma_start3A_211[%dma_start3A_212, %dma_start3A_213] : memref<128x128xf32, #tpu.memory_space<hbm>> -> memref<128x64xf32, #tpu.memory_space<hbm>>
      %dma_start3A_215 = arith.constant 0 : i32
      %dma_start3A_216 = tpu.memref_slice %arg6[%add3A_87, %mul3A_2, %dma_start3A_215] : memref<200x4096x128xf32, #tpu.memory_space<hbm>> -> memref<1x128x128xf32, #tpu.memory_space<hbm>>
      %dma_start3A_217 = tpu.memref_squeeze %dma_start3A_216 : memref<1x128x128xf32, #tpu.memory_space<hbm>> -> memref<128x128xf32, #tpu.memory_space<hbm>>
      %dma_start3A_218 = arith.constant 0 : i32
      %dma_start3A_219 = arith.constant 0 : i32
      %dma_start3A_220 = tpu.memref_slice %dma_start3A_217[%dma_start3A_218, %dma_start3A_219] : memref<128x128xf32, #tpu.memory_space<hbm>> -> memref<128x64xf32, #tpu.memory_space<hbm>>
      tpu.enqueue_dma source(%arg11 : memref<128x64xf32, #tpu.memory_space<vmem>>) target(%dma_start3A_220 : memref<128x64xf32, #tpu.memory_space<hbm>>) target_semaphore(%arg17 : memref<!tpu.dma_semaphore, #tpu.memory_space<semaphore_mem>>)
      %dma_start3A_221 = arith.constant 0 : i32
      %dma_start3A_222 = tpu.memref_slice %arg6[%add3A_87, %mul3A_2, %dma_start3A_221] : memref<200x4096x128xf32, #tpu.memory_space<hbm>> -> memref<1x128x128xf32, #tpu.memory_space<hbm>>
      %dma_start3A_223 = tpu.memref_squeeze %dma_start3A_222 : memref<1x128x128xf32, #tpu.memory_space<hbm>> -> memref<128x128xf32, #tpu.memory_space<hbm>>
      %dma_start3A_224 = arith.constant 0 : i32
      %dma_start3A_225 = arith.constant 64 : i32
      %dma_start3A_226 = tpu.memref_slice %dma_start3A_223[%dma_start3A_224, %dma_start3A_225] : memref<128x128xf32, #tpu.memory_space<hbm>> -> memref<128x64xf32, #tpu.memory_space<hbm>>
      %dma_start3A_227 = arith.constant 0 : i32
      %dma_start3A_228 = tpu.memref_slice %arg6[%add3A_87, %mul3A_2, %dma_start3A_227] : memref<200x4096x128xf32, #tpu.memory_space<hbm>> -> memref<1x128x128xf32, #tpu.memory_space<hbm>>
      %dma_start3A_229 = tpu.memref_squeeze %dma_start3A_228 : memref<1x128x128xf32, #tpu.memory_space<hbm>> -> memref<128x128xf32, #tpu.memory_space<hbm>>
      %dma_start3A_230 = arith.constant 0 : i32
      %dma_start3A_231 = arith.constant 64 : i32
      %dma_start3A_232 = tpu.memref_slice %dma_start3A_229[%dma_start3A_230, %dma_start3A_231] : memref<128x128xf32, #tpu.memory_space<hbm>> -> memref<128x64xf32, #tpu.memory_space<hbm>>
      tpu.enqueue_dma source(%arg13 : memref<128x64xf32, #tpu.memory_space<vmem>>) target(%dma_start3A_232 : memref<128x64xf32, #tpu.memory_space<hbm>>) target_semaphore(%arg17 : memref<!tpu.dma_semaphore, #tpu.memory_space<semaphore_mem>>)
    }
    %scan3A_29 = arith.constant 100 : i32
    %dma_wait3A = arith.constant 198 : i32
    %dma_wait3A_30 = arith.constant 0 : i32
    %dma_wait3A_31 = tpu.memref_slice %arg6[%dma_wait3A, %mul3A_2, %dma_wait3A_30] : memref<200x4096x128xf32, #tpu.memory_space<hbm>> -> memref<1x128x128xf32, #tpu.memory_space<hbm>>
    %dma_wait3A_32 = tpu.memref_squeeze %dma_wait3A_31 : memref<1x128x128xf32, #tpu.memory_space<hbm>> -> memref<128x128xf32, #tpu.memory_space<hbm>>
    %dma_wait3A_33 = arith.constant 0 : i32
    %dma_wait3A_34 = arith.constant 0 : i32
    %dma_wait3A_35 = tpu.memref_slice %dma_wait3A_32[%dma_wait3A_33, %dma_wait3A_34] : memref<128x128xf32, #tpu.memory_space<hbm>> -> memref<128x64xf32, #tpu.memory_space<hbm>>
    %dma_wait3A_36 = arith.constant 0 : i32
    %dma_wait3A_37 = tpu.memref_slice %arg6[%dma_wait3A, %mul3A_2, %dma_wait3A_36] : memref<200x4096x128xf32, #tpu.memory_space<hbm>> -> memref<1x128x128xf32, #tpu.memory_space<hbm>>
    %dma_wait3A_38 = tpu.memref_squeeze %dma_wait3A_37 : memref<1x128x128xf32, #tpu.memory_space<hbm>> -> memref<128x128xf32, #tpu.memory_space<hbm>>
    %dma_wait3A_39 = arith.constant 0 : i32
    %dma_wait3A_40 = arith.constant 0 : i32
    %dma_wait3A_41 = tpu.memref_slice %dma_wait3A_38[%dma_wait3A_39, %dma_wait3A_40] : memref<128x128xf32, #tpu.memory_space<hbm>> -> memref<128x64xf32, #tpu.memory_space<hbm>>
    tpu.wait_dma2 semaphore(%arg16 : memref<!tpu.dma_semaphore, #tpu.memory_space<semaphore_mem>>) src(%arg8 : memref<128x64xf32, #tpu.memory_space<vmem>>) dst(%dma_wait3A_41 : memref<128x64xf32, #tpu.memory_space<hbm>>)
    %dma_wait3A_42 = arith.constant 198 : i32
    %dma_wait3A_43 = arith.constant 0 : i32
    %dma_wait3A_44 = tpu.memref_slice %arg6[%dma_wait3A_42, %mul3A_2, %dma_wait3A_43] : memref<200x4096x128xf32, #tpu.memory_space<hbm>> -> memref<1x128x128xf32, #tpu.memory_space<hbm>>
    %dma_wait3A_45 = tpu.memref_squeeze %dma_wait3A_44 : memref<1x128x128xf32, #tpu.memory_space<hbm>> -> memref<128x128xf32, #tpu.memory_space<hbm>>
    %dma_wait3A_46 = arith.constant 0 : i32
    %dma_wait3A_47 = arith.constant 64 : i32
    %dma_wait3A_48 = tpu.memref_slice %dma_wait3A_45[%dma_wait3A_46, %dma_wait3A_47] : memref<128x128xf32, #tpu.memory_space<hbm>> -> memref<128x64xf32, #tpu.memory_space<hbm>>
    %dma_wait3A_49 = arith.constant 0 : i32
    %dma_wait3A_50 = tpu.memref_slice %arg6[%dma_wait3A_42, %mul3A_2, %dma_wait3A_49] : memref<200x4096x128xf32, #tpu.memory_space<hbm>> -> memref<1x128x128xf32, #tpu.memory_space<hbm>>
    %dma_wait3A_51 = tpu.memref_squeeze %dma_wait3A_50 : memref<1x128x128xf32, #tpu.memory_space<hbm>> -> memref<128x128xf32, #tpu.memory_space<hbm>>
    %dma_wait3A_52 = arith.constant 0 : i32
    %dma_wait3A_53 = arith.constant 64 : i32
    %dma_wait3A_54 = tpu.memref_slice %dma_wait3A_51[%dma_wait3A_52, %dma_wait3A_53] : memref<128x128xf32, #tpu.memory_space<hbm>> -> memref<128x64xf32, #tpu.memory_space<hbm>>
    tpu.wait_dma2 semaphore(%arg16 : memref<!tpu.dma_semaphore, #tpu.memory_space<semaphore_mem>>) src(%arg10 : memref<128x64xf32, #tpu.memory_space<vmem>>) dst(%dma_wait3A_54 : memref<128x64xf32, #tpu.memory_space<hbm>>)
    %dma_wait3A_55 = arith.constant 199 : i32
    %dma_wait3A_56 = arith.constant 0 : i32
    %dma_wait3A_57 = tpu.memref_slice %arg6[%dma_wait3A_55, %mul3A_2, %dma_wait3A_56] : memref<200x4096x128xf32, #tpu.memory_space<hbm>> -> memref<1x128x128xf32, #tpu.memory_space<hbm>>
    %dma_wait3A_58 = tpu.memref_squeeze %dma_wait3A_57 : memref<1x128x128xf32, #tpu.memory_space<hbm>> -> memref<128x128xf32, #tpu.memory_space<hbm>>
    %dma_wait3A_59 = arith.constant 0 : i32
    %dma_wait3A_60 = arith.constant 0 : i32
    %dma_wait3A_61 = tpu.memref_slice %dma_wait3A_58[%dma_wait3A_59, %dma_wait3A_60] : memref<128x128xf32, #tpu.memory_space<hbm>> -> memref<128x64xf32, #tpu.memory_space<hbm>>
    %dma_wait3A_62 = arith.constant 0 : i32
    %dma_wait3A_63 = tpu.memref_slice %arg6[%dma_wait3A_55, %mul3A_2, %dma_wait3A_62] : memref<200x4096x128xf32, #tpu.memory_space<hbm>> -> memref<1x128x128xf32, #tpu.memory_space<hbm>>
    %dma_wait3A_64 = tpu.memref_squeeze %dma_wait3A_63 : memref<1x128x128xf32, #tpu.memory_space<hbm>> -> memref<128x128xf32, #tpu.memory_space<hbm>>
    %dma_wait3A_65 = arith.constant 0 : i32
    %dma_wait3A_66 = arith.constant 0 : i32
    %dma_wait3A_67 = tpu.memref_slice %dma_wait3A_64[%dma_wait3A_65, %dma_wait3A_66] : memref<128x128xf32, #tpu.memory_space<hbm>> -> memref<128x64xf32, #tpu.memory_space<hbm>>
    tpu.wait_dma2 semaphore(%arg17 : memref<!tpu.dma_semaphore, #tpu.memory_space<semaphore_mem>>) src(%arg11 : memref<128x64xf32, #tpu.memory_space<vmem>>) dst(%dma_wait3A_67 : memref<128x64xf32, #tpu.memory_space<hbm>>)
    %dma_wait3A_68 = arith.constant 199 : i32
    %dma_wait3A_69 = arith.constant 0 : i32
    %dma_wait3A_70 = tpu.memref_slice %arg6[%dma_wait3A_68, %mul3A_2, %dma_wait3A_69] : memref<200x4096x128xf32, #tpu.memory_space<hbm>> -> memref<1x128x128xf32, #tpu.memory_space<hbm>>
    %dma_wait3A_71 = tpu.memref_squeeze %dma_wait3A_70 : memref<1x128x128xf32, #tpu.memory_space<hbm>> -> memref<128x128xf32, #tpu.memory_space<hbm>>
    %dma_wait3A_72 = arith.constant 0 : i32
    %dma_wait3A_73 = arith.constant 64 : i32
    %dma_wait3A_74 = tpu.memref_slice %dma_wait3A_71[%dma_wait3A_72, %dma_wait3A_73] : memref<128x128xf32, #tpu.memory_space<hbm>> -> memref<128x64xf32, #tpu.memory_space<hbm>>
    %dma_wait3A_75 = arith.constant 0 : i32
    %dma_wait3A_76 = tpu.memref_slice %arg6[%dma_wait3A_68, %mul3A_2, %dma_wait3A_75] : memref<200x4096x128xf32, #tpu.memory_space<hbm>> -> memref<1x128x128xf32, #tpu.memory_space<hbm>>
    %dma_wait3A_77 = tpu.memref_squeeze %dma_wait3A_76 : memref<1x128x128xf32, #tpu.memory_space<hbm>> -> memref<128x128xf32, #tpu.memory_space<hbm>>
    %dma_wait3A_78 = arith.constant 0 : i32
    %dma_wait3A_79 = arith.constant 64 : i32
    %dma_wait3A_80 = tpu.memref_slice %dma_wait3A_77[%dma_wait3A_78, %dma_wait3A_79] : memref<128x128xf32, #tpu.memory_space<hbm>> -> memref<128x64xf32, #tpu.memory_space<hbm>>
    tpu.wait_dma2 semaphore(%arg17 : memref<!tpu.dma_semaphore, #tpu.memory_space<semaphore_mem>>) src(%arg13 : memref<128x64xf32, #tpu.memory_space<vmem>>) dst(%dma_wait3A_80 : memref<128x64xf32, #tpu.memory_space<hbm>>)
    return
  }
}

module attributes {stable_mosaic.version = 14 : i64} {
  func.func @_transform_body(%arg0: i32, %arg1: memref<4000x64xf32, #tpu.memory_space<vmem>>, %arg2: memref<4000x64xf32, #tpu.memory_space<vmem>>, %arg3: memref<64x128xf32, #tpu.memory_space<vmem>>, %arg4: memref<1x64xf32, #tpu.memory_space<vmem>>, %arg5: memref<4000x64xf32, #tpu.memory_space<vmem>>, %arg6: memref<4000x64xf32, #tpu.memory_space<vmem>>) attributes {dimension_semantics = [#tpu.dimension_semantics<arbitrary>], iteration_bounds = array<i64: 25>, scalar_prefetch = 0 : i64, scratch_operands = 0 : i64, tpu.core_type = #tpu.core_type<tc>, window_params = [{transform_indices = @transform_0, window_bounds = array<i64: 4000, 64>}, {transform_indices = @transform_1, window_bounds = array<i64: 4000, 64>}, {pipeline_mode = #tpu.pipeline_mode<synchronous>, transform_indices = @transform_2, window_bounds = array<i64: 64, 128>}, {pipeline_mode = #tpu.pipeline_mode<synchronous>, transform_indices = @transform_3, window_bounds = array<i64: 1, 64>}, {transform_indices = @transform_4, window_bounds = array<i64: 4000, 64>}, {transform_indices = @transform_5, window_bounds = array<i64: 4000, 64>}]} {
    %get3A = arith.constant 0 : index
    %get3A_0 = arith.constant 0 : index
    %get3A_1 = vector.load %arg3[%get3A, %get3A_0] : memref<64x128xf32, #tpu.memory_space<vmem>>, vector<64x128xf32>
    %slice3A = vector.extract_strided_slice %get3A_1 {offsets = [0, 0], sizes = [64, 64], strides = [1, 1]} : vector<64x128xf32> to vector<64x64xf32>
    %slice3A_2 = vector.extract_strided_slice %get3A_1 {offsets = [0, 64], sizes = [64, 64], strides = [1, 1]} : vector<64x128xf32> to vector<64x64xf32>
    %get3A_3 = arith.constant 0 : index
    %get3A_4 = arith.constant 0 : index
    %get3A_5 = vector.load %arg1[%get3A_3, %get3A_4] : memref<4000x64xf32, #tpu.memory_space<vmem>>, vector<4000x64xf32>
    %dot_general3A = arith.constant dense<0.000000e+00> : vector<4000x64xf32>
    %dot_general3A_6 = tpu.matmul %get3A_5, %slice3A, %dot_general3A {dimension_numbers = #tpu.dot_dimension_numbers<[1], [1], [0], [0], [0, 0, 1, 0], [], []>, precision = #tpu.contract_precision<fp32>, transpose_lhs_hint = false} : vector<4000x64xf32>, vector<64x64xf32>, vector<4000x64xf32> -> vector<4000x64xf32>
    %get3A_7 = arith.constant 0 : index
    %get3A_8 = arith.constant 0 : index
    %get3A_9 = vector.load %arg4[%get3A_7, %get3A_8] : memref<1x64xf32, #tpu.memory_space<vmem>>, vector<1x64xf32>
    %add3A = vector.broadcast %get3A_9 : vector<1x64xf32> to vector<4000x64xf32>
    %add3A_10 = arith.addf %dot_general3A_6, %add3A : vector<4000x64xf32>
    %swap3A = arith.constant 0 : index
    %swap3A_11 = arith.constant 0 : index
    %swap3A_12 = vector.load %arg5[%swap3A, %swap3A_11] : memref<4000x64xf32, #tpu.memory_space<vmem>>, vector<4000x64xf32>
    tpu.vector_store %arg5[%swap3A, %swap3A_11], %add3A_10 {strides = array<i32>} : memref<4000x64xf32, #tpu.memory_space<vmem>>, vector<4000x64xf32>,
    %get3A_13 = arith.constant 0 : index
    %get3A_14 = arith.constant 0 : index
    %get3A_15 = vector.load %arg2[%get3A_13, %get3A_14] : memref<4000x64xf32, #tpu.memory_space<vmem>>, vector<4000x64xf32>
    %dot_general3A_16 = arith.constant dense<0.000000e+00> : vector<4000x64xf32>
    %dot_general3A_17 = tpu.matmul %get3A_15, %slice3A_2, %dot_general3A_16 {dimension_numbers = #tpu.dot_dimension_numbers<[1], [1], [0], [0], [0, 0, 1, 0], [], []>, precision = #tpu.contract_precision<fp32>, transpose_lhs_hint = false} : vector<4000x64xf32>, vector<64x64xf32>, vector<4000x64xf32> -> vector<4000x64xf32>
    %swap3A_18 = arith.constant 0 : index
    %swap3A_19 = arith.constant 0 : index
    %swap3A_20 = vector.load %arg6[%swap3A_18, %swap3A_19] : memref<4000x64xf32, #tpu.memory_space<vmem>>, vector<4000x64xf32>
    tpu.vector_store %arg6[%swap3A_18, %swap3A_19], %dot_general3A_17 {strides = array<i32>} : memref<4000x64xf32, #tpu.memory_space<vmem>>, vector<4000x64xf32>,
    return
  }
  func.func @transform_0(%arg0: i32) -> (i32, i32) {
    %c0_i32 = arith.constant 0 : i32
    %c0_i32_0 = arith.constant 0 : i32
    return %arg0, %c0_i32 : i32, i32
  }
  func.func @transform_1(%arg0: i32) -> (i32, i32) {
    %c0_i32 = arith.constant 0 : i32
    %c0_i32_0 = arith.constant 0 : i32
    return %arg0, %c0_i32 : i32, i32
  }
  func.func @transform_2(%arg0: i32) -> (i32, i32) {
    %c0_i32 = arith.constant 0 : i32
    %c0_i32_0 = arith.constant 0 : i32
    %c0_i32_1 = arith.constant 0 : i32
    return %c0_i32, %c0_i32_0 : i32, i32
  }
  func.func @transform_3(%arg0: i32) -> (i32, i32) {
    %c0_i32 = arith.constant 0 : i32
    %c0_i32_0 = arith.constant 0 : i32
    %c0_i32_1 = arith.constant 0 : i32
    return %c0_i32, %c0_i32_0 : i32, i32
  }
  func.func @transform_4(%arg0: i32) -> (i32, i32) {
    %c0_i32 = arith.constant 0 : i32
    %c0_i32_0 = arith.constant 0 : i32
    return %arg0, %c0_i32 : i32, i32
  }
  func.func @transform_5(%arg0: i32) -> (i32, i32) {
    %c0_i32 = arith.constant 0 : i32
    %c0_i32_0 = arith.constant 0 : i32
    return %arg0, %c0_i32 : i32, i32
  }
}

module attributes {stable_mosaic.version = 14 : i64} {
  func.func @_relayout_body(%arg0: i32, %arg1: memref<2x4096x128xf32, #tpu.memory_space<vmem>>, %arg2: memref<2x8x32x8x128xf32, #tpu.memory_space<vmem>>, %arg3: memref<2x8x32x8x128xf32, #tpu.memory_space<vmem>>) attributes {dimension_semantics = [#tpu.dimension_semantics<arbitrary>], iteration_bounds = array<i64: 100>, scalar_prefetch = 0 : i64, scratch_operands = 0 : i64, tpu.core_type = #tpu.core_type<tc>, window_params = [{transform_indices = @transform_0, window_bounds = array<i64: 2, 4096, 128>}, {transform_indices = @transform_1, window_bounds = array<i64: 2, 8, 32, 8, 128>}, {transform_indices = @transform_2, window_bounds = array<i64: 2, 8, 32, 8, 128>}]} {
    %get3A = arith.constant 0 : index
    %get3A_0 = arith.constant 0 : index
    %get3A_1 = arith.constant 0 : index
    %get3A_2 = vector.load %arg1[%get3A, %get3A_0, %get3A_1] : memref<2x4096x128xf32, #tpu.memory_space<vmem>>, vector<1x4096x128xf32>
    %get3A_3 = vector.shape_cast %get3A_2 : vector<1x4096x128xf32> to vector<4096x128xf32>
    %slice3A = vector.extract_strided_slice %get3A_3 {offsets = [0, 0], sizes = [4096, 64], strides = [1, 1]} : vector<4096x128xf32> to vector<4096x64xf32>
    %transpose3A = tpu.transpose %slice3A, [1, 0] : vector<4096x64xf32> -> vector<64x4096xf32>
    %reshape3A = vector.shape_cast %transpose3A : vector<64x4096xf32> to vector<8x8x32x128xf32>
    %transpose3A_4 = tpu.transpose %reshape3A, [0, 2, 1, 3] : vector<8x8x32x128xf32> -> vector<8x32x8x128xf32>
    %swap3A = arith.constant 0 : index
    %swap3A_5 = arith.constant 0 : index
    %swap3A_6 = arith.constant 0 : index
    %swap3A_7 = arith.constant 0 : index
    %swap3A_8 = arith.constant 0 : index
    %swap3A_9 = vector.load %arg2[%swap3A, %swap3A_5, %swap3A_6, %swap3A_7, %swap3A_8] : memref<2x8x32x8x128xf32, #tpu.memory_space<vmem>>, vector<1x8x32x8x128xf32>
    %swap3A_10 = vector.shape_cast %swap3A_9 : vector<1x8x32x8x128xf32> to vector<8x32x8x128xf32>
    %swap3A_11 = vector.shape_cast %transpose3A_4 : vector<8x32x8x128xf32> to vector<1x8x32x8x128xf32>
    tpu.vector_store %arg2[%swap3A, %swap3A_5, %swap3A_6, %swap3A_7, %swap3A_8], %swap3A_11 {strides = array<i32>} : memref<2x8x32x8x128xf32, #tpu.memory_space<vmem>>, vector<1x8x32x8x128xf32>,
    %slice3A_12 = vector.extract_strided_slice %get3A_3 {offsets = [0, 64], sizes = [4096, 64], strides = [1, 1]} : vector<4096x128xf32> to vector<4096x64xf32>
    %transpose3A_13 = tpu.transpose %slice3A_12, [1, 0] : vector<4096x64xf32> -> vector<64x4096xf32>
    %reshape3A_14 = vector.shape_cast %transpose3A_13 : vector<64x4096xf32> to vector<8x8x32x128xf32>
    %transpose3A_15 = tpu.transpose %reshape3A_14, [0, 2, 1, 3] : vector<8x8x32x128xf32> -> vector<8x32x8x128xf32>
    %swap3A_16 = arith.constant 0 : index
    %swap3A_17 = arith.constant 0 : index
    %swap3A_18 = arith.constant 0 : index
    %swap3A_19 = arith.constant 0 : index
    %swap3A_20 = arith.constant 0 : index
    %swap3A_21 = vector.load %arg3[%swap3A_16, %swap3A_17, %swap3A_18, %swap3A_19, %swap3A_20] : memref<2x8x32x8x128xf32, #tpu.memory_space<vmem>>, vector<1x8x32x8x128xf32>
    %swap3A_22 = vector.shape_cast %swap3A_21 : vector<1x8x32x8x128xf32> to vector<8x32x8x128xf32>
    %swap3A_23 = vector.shape_cast %transpose3A_15 : vector<8x32x8x128xf32> to vector<1x8x32x8x128xf32>
    tpu.vector_store %arg3[%swap3A_16, %swap3A_17, %swap3A_18, %swap3A_19, %swap3A_20], %swap3A_23 {strides = array<i32>} : memref<2x8x32x8x128xf32, #tpu.memory_space<vmem>>, vector<1x8x32x8x128xf32>,
    %get3A_24 = arith.constant 1 : index
    %get3A_25 = arith.constant 0 : index
    %get3A_26 = arith.constant 0 : index
    %get3A_27 = vector.load %arg1[%get3A_24, %get3A_25, %get3A_26] : memref<2x4096x128xf32, #tpu.memory_space<vmem>>, vector<1x4096x128xf32>
    %get3A_28 = vector.shape_cast %get3A_27 : vector<1x4096x128xf32> to vector<4096x128xf32>
    %slice3A_29 = vector.extract_strided_slice %get3A_28 {offsets = [0, 0], sizes = [4096, 64], strides = [1, 1]} : vector<4096x128xf32> to vector<4096x64xf32>
    %transpose3A_30 = tpu.transpose %slice3A_29, [1, 0] : vector<4096x64xf32> -> vector<64x4096xf32>
    %reshape3A_31 = vector.shape_cast %transpose3A_30 : vector<64x4096xf32> to vector<8x8x32x128xf32>
    %transpose3A_32 = tpu.transpose %reshape3A_31, [0, 2, 1, 3] : vector<8x8x32x128xf32> -> vector<8x32x8x128xf32>
    %swap3A_33 = arith.constant 1 : index
    %swap3A_34 = arith.constant 0 : index
    %swap3A_35 = arith.constant 0 : index
    %swap3A_36 = arith.constant 0 : index
    %swap3A_37 = arith.constant 0 : index
    %swap3A_38 = vector.load %arg2[%swap3A_33, %swap3A_34, %swap3A_35, %swap3A_36, %swap3A_37] : memref<2x8x32x8x128xf32, #tpu.memory_space<vmem>>, vector<1x8x32x8x128xf32>
    %swap3A_39 = vector.shape_cast %swap3A_38 : vector<1x8x32x8x128xf32> to vector<8x32x8x128xf32>
    %swap3A_40 = vector.shape_cast %transpose3A_32 : vector<8x32x8x128xf32> to vector<1x8x32x8x128xf32>
    tpu.vector_store %arg2[%swap3A_33, %swap3A_34, %swap3A_35, %swap3A_36, %swap3A_37], %swap3A_40 {strides = array<i32>} : memref<2x8x32x8x128xf32, #tpu.memory_space<vmem>>, vector<1x8x32x8x128xf32>,
    %slice3A_41 = vector.extract_strided_slice %get3A_28 {offsets = [0, 64], sizes = [4096, 64], strides = [1, 1]} : vector<4096x128xf32> to vector<4096x64xf32>
    %transpose3A_42 = tpu.transpose %slice3A_41, [1, 0] : vector<4096x64xf32> -> vector<64x4096xf32>
    %reshape3A_43 = vector.shape_cast %transpose3A_42 : vector<64x4096xf32> to vector<8x8x32x128xf32>
    %transpose3A_44 = tpu.transpose %reshape3A_43, [0, 2, 1, 3] : vector<8x8x32x128xf32> -> vector<8x32x8x128xf32>
    %swap3A_45 = arith.constant 1 : index
    %swap3A_46 = arith.constant 0 : index
    %swap3A_47 = arith.constant 0 : index
    %swap3A_48 = arith.constant 0 : index
    %swap3A_49 = arith.constant 0 : index
    %swap3A_50 = vector.load %arg3[%swap3A_45, %swap3A_46, %swap3A_47, %swap3A_48, %swap3A_49] : memref<2x8x32x8x128xf32, #tpu.memory_space<vmem>>, vector<1x8x32x8x128xf32>
    %swap3A_51 = vector.shape_cast %swap3A_50 : vector<1x8x32x8x128xf32> to vector<8x32x8x128xf32>
    %swap3A_52 = vector.shape_cast %transpose3A_44 : vector<8x32x8x128xf32> to vector<1x8x32x8x128xf32>
    tpu.vector_store %arg3[%swap3A_45, %swap3A_46, %swap3A_47, %swap3A_48, %swap3A_49], %swap3A_52 {strides = array<i32>} : memref<2x8x32x8x128xf32, #tpu.memory_space<vmem>>, vector<1x8x32x8x128xf32>,
    return
  }
  func.func @transform_0(%arg0: i32) -> (i32, i32, i32) {
    %c0_i32 = arith.constant 0 : i32
    %c0_i32_0 = arith.constant 0 : i32
    %c0_i32_1 = arith.constant 0 : i32
    return %arg0, %c0_i32, %c0_i32_0 : i32, i32, i32
  }
  func.func @transform_1(%arg0: i32) -> (i32, i32, i32, i32, i32) {
    %c0_i32 = arith.constant 0 : i32
    %c0_i32_0 = arith.constant 0 : i32
    %c0_i32_1 = arith.constant 0 : i32
    %c0_i32_2 = arith.constant 0 : i32
    %c0_i32_3 = arith.constant 0 : i32
    return %arg0, %c0_i32, %c0_i32_0, %c0_i32_1, %c0_i32_2 : i32, i32, i32, i32, i32
  }
  func.func @transform_2(%arg0: i32) -> (i32, i32, i32, i32, i32) {
    %c0_i32 = arith.constant 0 : i32
    %c0_i32_0 = arith.constant 0 : i32
    %c0_i32_1 = arith.constant 0 : i32
    %c0_i32_2 = arith.constant 0 : i32
    %c0_i32_3 = arith.constant 0 : i32
    return %arg0, %c0_i32, %c0_i32_0, %c0_i32_1, %c0_i32_2 : i32, i32, i32, i32, i32
  }
}

</mosaic_0001>

<sc_bundles>
// kernel: kernel.5.cloned.1.call-start
scs
__scs_entry_jumppad:
0x0: {  	(pc) =	sbr.rel $0x88, $3  }
0x1: {  	(tag) =	ssettag $0x0;
	lr =	simm.s32 $0x1  }
0x2: {  	[smem:$0x3F9C] =	sst lr;
	_ =	strace $0xD0000000  }
0x3: {  	_ = 	snop  }
0x4: {  	_ = 	snop  }
0x5: {  	_ = 	snop  }
0x6: {  	_ = 	snop  }
0x7: {  	_ = 	snop  }
__scs_overlays_trampoline_lowered:
0x8: {  	[smem:$0x3FAB] =	sst s0  }
0x9: {  	[smem:$0x3FAC] =	sst s1  }
0xa: {  	[smem:$0x3FAD] =	sst s2  }
0xb: {  	[smem:$0x3FAE] =	sst s3  }
0xc: {  	[smem:$0x3FAF] =	sst s4  }
0xd: {  	[smem:$0x3FB0] =	sst s5  }
0xe: {  	[smem:$0x3FB1] =	sst s6  }
0xf: {  	[smem:$0x3FB2] =	sst s7  }
0x10: {  	[smem:$0x3FB3] =	sst s8  }
0x11: {  	[smem:$0x3FB4] =	sst s9;
	s0 =	simm.s32 @!p0 $0x0  }
0x12: {  	s1 =	sld [smem:$0x3F9A];
	s0 =	simm.s32 @p0 $0x1  }
0x13: {  	[smem:$0x3FB5] =	sst s0;
	s0 =	simm.s32 @!p1 $0x0  }
0x14: {  	s2 =	sld [smem:$0x3F99];
	s0 =	simm.s32 @p1 $0x1  }
0x15: {  	[smem:$0x3FB6] =	sst s0;
	s0 =	simm.s32 @!p2 $0x0  }
0x16: {  	s3 =	sld [smem:$0x3FDB];
	s0 =	simm.s32 @p2 $0x1  }
0x17: {  	s4 =	simm.s32 $0x1BF5;
	[smem:$0x3FB8] =	sst s0  }
0x18: {  	s0 =	sld [smem:$0x3F9B];
	_ =	swait.ge [sflag:s4], $0x0  }
0x19: {  	s7 =	sld [smem:$0x3F9C]  }
0x1a: {  	s8 =	sadd.s32 $0xFFFFE003, lr  }
0x1b: {  	s9 =	sadd.s32 $0xFFFFFEF7, lr;
	s5 =	simm.s32 $0xFFFFFFFF;
	p2 =	slt.u32 s8, $0xFFFFF086  }
0x1c: {  	p1 =	slt.u32 s9, $0xF7A;
	s5 =	simm.s32 @!p2 $0x0  }
0x1d: {  	s5 =	simm.s32 @p1 $0x1;
	p0 =	seq.s32 s7, s2  }
0x1e: {  	s7 =	smul.u32 @!p0 $0xF7A, s2;
	p2 =	seq.s32 @!p0 s5, $0x0  }
0x1f: {  	s9 =	smul.u32 $0xF7A, s1;
	s8 =	simm.s32 @!p0 $0x1BF5;
	p2 =	por !p2, p0  }
0x20: {  	[sflag:s8] =	ssyncset.s32 @!p0 $0xFFFFF086;
	s6 =	sadd.s32 @!p0 s3, s7;
	s7 =	simm.s32 @!p0 $0x108  }
0x21: {  	s3 =	sadd.s32 s3, s9;
	s6 =	sadd.s32 @!p0 $0x88, s6;
	s7 =	simm.s32 @p2 $0x1082  }
0x22: {  	[simem:s7], [sflag:s8] =	dma.local @!p0 [hbm:s6], $0xF7A  }
0x23: {  	s9 =	sor.u32 $0xD0000000, s2;
	s6 =	simm.s32 $0x108;
	_ =	swait.ge @!p0 [sflag:s8], $0x0  }
0x24: {  	s3 =	sadd.s32 $0x88, s3;
	s6 =	simm.s32 @!p1 $0x1082;
	[sflag:s4] =	ssyncset.s32 $0xFFFFF086  }
0x25: {  	[simem:s6], [sflag:s4] =	dma.local [hbm:s3], $0xF7A  }
0x26: {  	[smem:$0x3F9C] =	sst s1;
	(tag) =	ssettag s2;
	_ =	strace s9  }
0x27: {  	s1 =	sld [smem:$0x3FAC]  }
0x28: {  	s2 =	sld [smem:$0x3FAD]  }
0x29: {  	s4 =	sld [smem:$0x3FAF]  }
0x2a: {  	p0 =	seq.s32 s5, $0x0;
	s5 =	sld [smem:$0x3FB0]  }
0x2b: {  	s6 =	sld [smem:$0x3FB1]  }
0x2c: {  	s7 =	sld [smem:$0x3FB2]  }
0x2d: {  	s3 =	simm.s32 $0x108;
	s8 =	sld [smem:$0x3FB3]  }
0x2e: {  	s3 =	simm.s32 @!p0 $0x1082;
	s9 =	sld [smem:$0x3FB4]  }
0x2f: {  	lr =	sadd.s32 s0, s3;
	s0 =	sld [smem:$0x3FAB]  }
0x30: {  	s3 =	sld [smem:$0x3FAE]  }
0x31: {  	[smem:$0x3FB7] =	sst s10  }
0x32: {  	s10 =	sld [smem:$0x3FB5];
	_ =	sdelay $0x3  }
0x33: {  	p0 =	seq.s32 s10, $0x1;
	s10 =	sld [smem:$0x3FB7];
	_ =	sdelay $0x3  }
0x34: {  	[smem:$0x3FB7] =	sst s10  }
0x35: {  	s10 =	sld [smem:$0x3FB6];
	_ =	sdelay $0x3  }
0x36: {  	p1 =	seq.s32 s10, $0x1;
	s10 =	sld [smem:$0x3FB7];
	_ =	sdelay $0x3  }
0x37: {  	[smem:$0x3FB7] =	sst s10  }
0x38: {  	s10 =	sld [smem:$0x3FB8]  }
0x39: {  	_ = 	snop;
	(pc) =	sbr.ind lr, $3  }
0x3a: {  	_ = 	snop  }
0x3b: {  	_ = 	snop  }
0x3c: {  	p2 =	seq.s32 s10, $0x1;
	s10 =	sld [smem:$0x3FB7]  }
0x3d: {  	_ =	shalt  }
0x3e: {  	_ =	shalt  }
0x3f: {  	_ =	shalt  }
0x40: {  	_ =	shalt  }
0x41: {  	_ =	shalt  }
0x42: {  	_ =	shalt  }
0x43: {  	_ =	shalt  }
0x44: {  	_ =	shalt  }
0x45: {  	_ =	shalt  }
0x46: {  	_ =	shalt  }
0x47: {  	_ =	shalt  }
0x48: {  	_ =	shalt  }
0x49: {  	_ =	shalt  }
0x4a: {  	_ =	shalt  }
0x4b: {  	_ =	shalt  }
0x4c: {  	_ =	shalt  }
0x4d: {  	_ =	shalt  }
0x4e: {  	_ =	shalt  }
0x4f: {  	_ =	shalt  }
0x50: {  	_ =	shalt  }
0x51: {  	_ =	shalt  }
0x52: {  	_ =	shalt  }
0x53: {  	_ =	shalt  }
0x54: {  	_ =	shalt  }
0x55: {  	_ =	shalt  }
0x56: {  	_ =	shalt  }
0x57: {  	_ =	shalt  }
0x58: {  	_ =	shalt  }
0x59: {  	_ =	shalt  }
0x5a: {  	_ =	shalt  }
0x5b: {  	_ =	shalt  }
0x5c: {  	_ =	shalt  }
0x5d: {  	_ =	shalt  }
0x5e: {  	_ =	shalt  }
0x5f: {  	_ =	shalt  }
0x60: {  	_ =	shalt  }
0x61: {  	_ =	shalt  }
0x62: {  	_ =	shalt  }
0x63: {  	_ =	shalt  }
0x64: {  	_ =	shalt  }
0x65: {  	_ =	shalt  }
0x66: {  	_ =	shalt  }
0x67: {  	_ =	shalt  }
0x68: {  	_ =	shalt  }
0x69: {  	_ =	shalt  }
0x6a: {  	_ =	shalt  }
0x6b: {  	_ =	shalt  }
0x6c: {  	_ =	shalt  }
0x6d: {  	_ =	shalt  }
0x6e: {  	_ =	shalt  }
0x6f: {  	_ =	shalt  }
0x70: {  	_ =	shalt  }
0x71: {  	_ =	shalt  }
0x72: {  	_ =	shalt  }
0x73: {  	_ =	shalt  }
0x74: {  	_ =	shalt  }
0x75: {  	_ =	shalt  }
0x76: {  	_ =	shalt  }
0x77: {  	_ =	shalt  }
0x78: {  	_ =	shalt  }
0x79: {  	_ =	shalt  }
0x7a: {  	_ =	shalt  }
0x7b: {  	_ =	shalt  }
0x7c: {  	_ =	shalt  }
0x7d: {  	_ =	shalt  }
0x7e: {  	_ =	shalt  }
0x7f: {  	_ =	shalt  }
0x80: {  	_ =	shalt  }
0x81: {  	_ =	shalt  }
0x82: {  	_ =	shalt  }
0x83: {  	_ =	shalt  }
0x84: {  	_ =	shalt  }
0x85: {  	_ =	shalt  }
0x86: {  	_ =	shalt  }
0x87: {  	_ =	shalt  }
.Lfunc_end0:
.L_simem_size_0:
called_computation_lowered:
.L_overlay_start_0:
0x88: {  	s2 =	sld [smem:$0x3FD9]  }
0x89: {  	s3 =	sld [smem:$0x3FFE];
	_ =	sdelay $0x1  }
0x8a: {  	s1 =	srdreg.scid  }
0x8b: {  	s0 =	sand.u32 $0x1, s1  }
0x8c: {  	s14 =	sshll.u32 s0, $0xA;
	s2 =	sadd.s32 s3, s2  }
0x8d: {  	s2 =	sadd.s32 s2, s14  }
0x8e: {  	[smem:$0x3FC3] =	sst s2  }
0x8f: {  	_ = 	snop  }
0x90: {  	s2 =	sld [smem:$0x3FD0];
	_ =	sdelay $0x2  }
0x91: {  	s4 =	simm.s32 $0xA;
	s5 =	simm.s32 $0x10;
	s15 =	sld [smem:$0x3FC5]  }
0x92: {  	[smem:s5], [sflag:s4] =	dma.local [hbm:s2], $0x1  }
0x93: {  	_ =	swait.eq [sflag:s4], $0x1  }
0x94: {  	[sflag:s4] =	ssyncset.done $0x0  }
0x95: {  	s16 =	sld [smem:$0x10];
	[sflag:s4] =	ssyncadd.s32 $0xFFFFFFFF  }
0x96: {  	s17 =	sld [smem:$0x11];
	(tm) =	ssettm $0x1  }
0x97: {  	s18 =	sld [smem:$0x3FFB];
	_ =	sdelay $0x3  }
0x98: {  	_ =	strace s18  }
0x99: {  	s5 =	sld [smem:$0x3FFC];
	_ =	sdelay $0x3  }
0x9a: {  	_ =	strace s5  }
0x9b: {  	s5 =	sld [smem:$0x3FFD];
	_ =	sdelay $0x3  }
0x9c: {  	_ =	strace s5  }
0x9d: {  	_ =	strace $0x8FFFFFFF  }
0x9e: {  	s19 =	sld [smem:$0x3FDB];
	_ =	sdelay $0x1  }
0x9f: {  	s6 =	simm.s32 $_scs_section_size  }
0xa0: {  	s7 =	simm.s32 $_size__tile_overlayer_lowered;
	s8 =	simm.s32 $_tile_overlayer_lowered  }
0xa1: {  	s22 =	simm.s32 $0x1BFF;
	s21 =	sshll.u32 s8, $0x1;
	s5 =	sadd.s32 s6, s19  }
0xa2: {  	s9 =	simm.s32 $0x0;
	s20 =	sshll.u32 s7, $0x1;
	s7 =	sadd.s32 s21, s5  }
0xa3: {  	[timem:s9], [sflag:s22] =	dma.local [hbm:s7], s20  }
0xa4: {  	_ =	swait.ge [sflag:s22], s20  }
0xa5: {  	s6 =	ssub.s32 $0x0, s20;
	[sflag:s22] =	ssyncset.done $0x0  }
0xa6: {  	[sflag:s22] =	ssyncadd.s32 s6;
	_ =	sdelay $0x1  }
0xa7: {  	s23 =	simm.s32 $0x1B8B  }
0xa8: {  	_ =	swait.ge [sflag:s23], $0x1  }
0xa9: {  	[sflag:s23] =	ssyncset.done $0x0  }
0xaa: {  	s25 =	simm.s32 $0x1B8E;
	s24 =	sld [smem:$0x3FFE];
	[sflag:s23] =	ssyncadd.s32 $0xFFFFFFFF  }
0xab: {  	s26 =	simm.s32 $execute0_lowered;
	[smem:$0x3FD2] =	sst s25  }
0xac: {  	s7 =	sshll.u32 s26, $0x1;
	_ =	strace $0x80000046;
	[dreg:$0x1] =	wrdreg $0xFFFFFFFF  }
0xad: {  	s28 =	simm.s32 $_size_execute0_lowered;
	s5 =	sadd.s32 s5, s7;
	[dreg:$0x0] =	wrdreg $0x0  }
0xae: {  	s7 =	sshll.u32 s28, $0x1;
	[dreg:$0x2] =	wrdreg s5  }
0xaf: {  	[dreg:$0x3] =	wrdreg s7  }
0xb0: {  	[dreg:$0x4] =	wrdreg $0xC0  }
0xb1: {  	_ =	task [dreg:s9], $0x5FFFF  }
0xb2: {  	[dreg:$0x1] =	wrdreg $0xFFFFFFFF  }
0xb3: {  	[dreg:$0x0] =	wrdreg $0x60  }
0xb4: {  	[dreg:$0x2] =	wrdreg s17  }
0xb5: {  	[dreg:$0x3] =	wrdreg s16  }
0xb6: {  	[dreg:$0x4] =	wrdreg s24  }
0xb7: {  	[dreg:$0x5] =	wrdreg s15  }
0xb8: {  	[dreg:$0x6] =	wrdreg $0x9  }
0xb9: {  	_ =	task.clear_ibuf [dreg:s9], $0x7FFFF;
	_ =	strace $0x90000046  }
0xba: {  	s29 =	simm.s32 $0x9;
	_ =	strace $0x80000048  }
0xbb: {  	_ =	swait.ge [sflag:s29], $0x1  }
0xbc: {  	[sflag:s29] =	ssyncadd.s32 $0xFFFFFFFF  }
0xbd: {  	_ =	strace $0x90000048  }
0xbe: {  	_ =	sfence  }
0xbf: {  	s30 =	sld [smem:$0x0];
	_ =	sdelay $0x2  }
0xc0: {  	s31 =	sshll.u32 s1, $0xD;
	s1 =	sshrl.u32 s1, $0x2  }
0xc1: {  	s3 =	sand.u32 $0x4000, s31;
	s1 =	sadd.s32 s1, s30  }
0xc2: {  	s0 =	sor.u32 s3, s0;
	s1 =	sshll.u32 s1, $0x11  }
0xc3: {  	s0 =	sor.u32 s1, s0  }
0xc4: {  	s0 =	sadd.s32 $0x8F2B, s0  }
0xc5: {  	[sflag:s0] =	ssyncadd.remote.s32 $0x1  }
0xc6: {  	_ =	sfence.sel $0xFFFF  }
0xc7: {  	[dreg:$0x0] =	wrdreg $0xFFFFFFFF;
	(pc) =	sbr.abs _section_cstart, $3  }
0xc8: {  	[dreg:$0x1] =	wrdreg $0xFFFFFFFF  }
0xc9: {  	_ =	task.clear_ibuf [dreg:s9], $0x2FFFF;
	_ =	strace $0x9FFFFFFF  }
0xca: {  	(tm) =	ssettm $0x7FFFFFFF  }
0xcb: {  	_ =	shalt  }
tec
execute0_lowered:
.L_overlay_start_1:
0x0: {  	(tag) =	ssettag $0x1  }
0x1: {  	s1 =	rddreg [dreg:$0x0]  }
0x2: {  	s2 =	rddreg [dreg:$0x1]  }
0x3: {  	s6 =	rddreg [dreg:$0x2]  }
0x4: {  	s7 =	rddreg [dreg:$0x3]  }
0x5: {  	s4 =	simm.s32 $0x0;
	s5 =	srdreg.scid;
	s0 =	stileid.u32  }
0x6: {  	s12 =	simm.s32 $0x5;
	s13 =	simm.s32 $0x80;
	s14 =	simm.s32 $0x1000  }
0x7: {  	s15 =	simm.s32 $0x3000;
	s16 =	simm.s32 $0x5000;
	s17 =	simm.s32 $0x7000  }
0x8: {  	s18 =	simm.s32 $0x9000;
	s19 =	simm.s32 $0xB000;
	s20 =	simm.s32 $0x1  }
0x9: {  	s21 =	simm.s32 $0x40;
	s22 =	simm.s32 $0x2;
	s23 =	simm.s32 $0x3  }
0xa: {  	s24 =	simm.s32 $0x4;
	s25 =	simm.s32 $0x0;
	[smem:$0x7FF] =	sst s4  }
0xb: {  	s5 =	sand.u32 $0x1, s5;
	s8 =	sshll.u32 s0, $0x1;
	_ =	strace $0x80000047  }
0xc: {  	s9 =	ssub.s32 $0x2, s5;
	s8 =	sor.u32 s5, s8;
	s5 =	sadd.s32 $0x2800, s6  }
0xd: {  	s6 =	sadd.s32 $0xC5E00, s6;
	s10 =	sshrl.u32 s9, $0x1;
	s11 =	sshll.u32 s8, $0x5  }
0xe: {  	s8 =	sshll.u32 s8, $0xE;
	s9 =	ssub.s32 s9, s10;
	s7 =	sadd.s32 s7, s11  }
0xf: {  	s10 =	simm.s32 $0x100;
	s11 =	simm.s32 $0x2000;
	s9 =	smax.u32 s9, $0x1  }
.LBB2_1:
0x10: {  	[tilespmem:s4], [sflag:$0x5] =	stream.strided.gather [hbm4b:s7+s10], $0x1000, s11, s10, $0x38;
	[tilespmem:$0xD000] =	vst v63  }
0x11: {  	_ =	swait.ge [sflag:s12], $0x1000  }
0x12: {  	[sflag:s12] =	ssyncset.done $0x0  }
0x13: {  	[sflag:s12] =	ssyncadd.s32 $0xFFFFF000  }
0x14: {  	[tilespmem:s14], [sflag:$0x1] =	stream.indirect.gather [hbm4b:s1+s13], $0x40, s4, s13, $0xb8;
	[tilespmem:$0xD000] =	vst v63  }
0x15: {  	_ = 	snop  }
0x16: {  	[tilespmem:s15], [sflag:$0x1] =	stream.indirect.gather [hbm4b:s2+s13], $0x40, s13, s13, $0xb8;
	[tilespmem:$0xD000] =	vst v63  }
0x17: {  	s26 =	simm.s32 $0x0  }
0x18: {  	[tilespmem:s16], [sflag:$0x1] =	stream.indirect.gather [hbm4b:s5+s13], $0x40, s13, s13, $0xb8;
	[tilespmem:$0xD000] =	vst v63  }
.LBB2_2:
0x19: {  	p0 =	seq.s32 s26, $0x0  }
0x1a: {  	s29 =	simm.s32 @!p0 $0x4  }
0x1b: {  	_ =	swait.ge @!p0 [sflag:s29], $0x2000  }
0x1c: {  	[sflag:s29] =	ssyncset.done @!p0 $0x0  }
0x1d: {  	[sflag:s29] =	ssyncadd.s32 @!p0 $0xFFFFE000  }
0x1e: {  	s28 =	sshllo.u32 s26, $0x1;
	_ =	swait.ge @!p0 [sflag:s29], $0x2000  }
0x1f: {  	s30 =	sshll.u32 s28, $0x8;
	[sflag:s29] =	ssyncset.done @!p0 $0x0  }
0x20: {  	[sflag:s29] =	ssyncadd.s32 @!p0 $0xFFFFE000;
	s29 =	sand.u32 $0xF00, s30  }
0x21: {  	[tilespmem:s17], [sflag:$0x2] =	stream.indirect.gather [hbm4b:s1+s13], $0x40, s29, s13, $0xb8;
	[tilespmem:$0xD000] =	vst v63  }
0x22: {  	s29 =	sor.u32 $0x80, s29  }
0x23: {  	[tilespmem:s18], [sflag:$0x2] =	stream.indirect.gather [hbm4b:s2+s13], $0x40, s29, s13, $0xb8;
	[tilespmem:$0xD000] =	vst v63  }
0x24: {  	_ = 	snop  }
0x25: {  	[tilespmem:s19], [sflag:$0x2] =	stream.indirect.gather [hbm4b:s5+s13], $0x40, s29, s13, $0xb8;
	[tilespmem:$0xD000] =	vst v63  }
0x26: {  	_ =	swait.ge [sflag:s20], $0x2000  }
0x27: {  	[sflag:s20] =	ssyncset.done $0x0  }
0x28: {  	[sflag:s20] =	ssyncadd.s32 $0xFFFFE000  }
0x29: {  	_ =	swait.ge [sflag:s20], $0x2000  }
0x2a: {  	[sflag:s20] =	ssyncset.done $0x0  }
0x2b: {  	[sflag:s20] =	ssyncadd.s32 $0xFFFFE000  }
0x2c: {  	_ =	swait.ge [sflag:s20], $0x2000  }
0x2d: {  	[sflag:s20] =	ssyncset.done $0x0  }
0x2e: {  	s29 =	simm.s32 $0x0;
	[sflag:s20] =	ssyncadd.s32 $0xFFFFE000  }
0x2f: {  	v2 =	vld [tilespmem:s29+$0x3000]  }
0x30: {  	v3 =	vld [tilespmem:s29+$0x3010]  }
0x31: {  	v1 =	vld [tilespmem:s29+$0x3020]  }
0x32: {  	v0 =	vld [tilespmem:s29+$0x3030]  }
0x33: {  	v4 =	vld [tilespmem:s29+$0x1000]  }
0x34: {  	v5 =	vld [tilespmem:s29+$0x1010]  }
0x35: {  	s31 =	simm.s32 $0x100;
	s30 =	sshll.u32 s26, $0x1;
	v6 =	vld [tilespmem:s29+$0x1020]  }
.LBB2_3:
0x36: {  	p0 =	sne.s32 s31, $0x7F00;
	v7 =	vld [tilespmem:s29+$0x1030]  }
0x37: {  	s0 =	sshra.s32 s31, $0x2  }
0x38: {  	v4 =	vadd.f32 v2, v4;
	v2 =	vld [tilespmem:s0+$0x3000]  }
0x39: {  	v5 =	vadd.f32 v3, v5;
	v3 =	vld [tilespmem:s0+$0x3010]  }
.Ltmp0:
0x3a: {  	v4 =	vmax.f32 v4, $0.0e+00;
	v6 =	vadd.f32 v1, v6;
	v1 =	vld [tilespmem:s0+$0x3020];
	(pc) =	sbr.rel @p0 .LBB2_3-.Ltmp0, $4  }
0x3b: {  	[tilespmem:s29+$0x1000] =	vst v4;
	v5 =	vmax.f32 v5, $0.0e+00;
	v7 =	vadd.f32 v0, v7;
	v0 =	vld [tilespmem:s0+$0x3030]  }
0x3c: {  	v4 =	vld [tilespmem:s0+$0x1000];
	[tilespmem:s29+$0x1010] =	vst v5;
	v6 =	vmax.f32 v6, $0.0e+00  }
0x3d: {  	v5 =	vld [tilespmem:s0+$0x1010];
	[tilespmem:s29+$0x1020] =	vst v6;
	v7 =	vmax.f32 v7, $0.0e+00  }
0x3e: {  	s31 =	sadd.s32 $0x100, s31;
	v6 =	vld [tilespmem:s0+$0x1020];
	[tilespmem:s29+$0x1030] =	vst v7;
	s29 =	smov.u32 s0  }
0x3f: {  	v7 =	vld [tilespmem:s29+$0x1030];
	_ =	sdelay $0x1  }
0x40: {  	v2 =	vadd.f32 v2, v4  }
0x41: {  	v3 =	vadd.f32 v3, v5  }
0x42: {  	v2 =	vmax.f32 v2, $0.0e+00;
	v1 =	vadd.f32 v1, v6  }
0x43: {  	s0 =	sshll.u32 s26, $0x14;
	[tilespmem:s29+$0x1000] =	vst v2;
	v2 =	vmax.f32 v3, $0.0e+00;
	v0 =	vadd.f32 v0, v7  }
0x44: {  	s0 =	sor.u32 s8, s0;
	[tilespmem:s29+$0x1010] =	vst v2;
	v1 =	vmax.f32 v1, $0.0e+00  }
0x45: {  	s0 =	sshrl.u32 s0, $0x3;
	[tilespmem:s29+$0x1020] =	vst v1;
	v0 =	vmax.f32 v0, $0.0e+00  }
0x46: {  	s0 =	sadd.s32 s6, s0;
	[tilespmem:s29+$0x1030] =	vst v0  }
0x47: {  	[hbm4b:s0+s21] =	stream.strided.scatter [tilespmem:s14], [sflag:$0x3], $0x2000, s13, s21, $0x38;
	[tilespmem:$0xD000] =	vst v63  }
0x48: {  	p0 =	seq.s32 s26, $0x63;
	s0 =	sadd.s32 $0x8, s0  }
0x49: {  	[hbm4b:s0+s21] =	stream.strided.scatter [tilespmem:s16], [sflag:$0x3], $0x2000, s13, s21, $0x38;
	[tilespmem:$0xD000] =	vst v63  }
0x4a: {  	s0 =	sadd.s32 @!p0 $0x2, s30  }
0x4b: {  	s29 =	sand.u32 @!p0 $0xE, s0  }
0x4c: {  	p1 =	sne.s32 @!p0 s29, $0x0  }
0x4d: {  	p1 =	por p1, p0  }
0x4e: {  	s0 =	sshll.u32 @!p1 s0, $0xA;
	s30 =	simm.s32 @!p1 $0x100  }
0x4f: {  	s31 =	simm.s32 @!p1 $0x2000;
	s3 =	simm.s32 @!p1 $0x0;
	s0 =	sadd.s32 @!p1 s0, s7  }
0x50: {  	[tilespmem:s3], [sflag:$0x5] =	stream.strided.gather @!p1 [hbm4b:s0+s30], $0x1000, s31, s30, $0x38;
	[tilespmem:$0xD000] =	vst v63  }
0x51: {  	s0 =	simm.s32 @!p1 $0x5  }
0x52: {  	_ =	swait.ge @!p1 [sflag:s0], $0x1000  }
0x53: {  	[sflag:s0] =	ssyncset.done @!p1 $0x0  }
0x54: {  	[sflag:s0] =	ssyncadd.s32 @!p1 $0xFFFFF000;
	s0 =	simm.s32 @!p0 $0x3  }
0x55: {  	_ =	swait.ge @!p0 [sflag:s0], $0x2000  }
0x56: {  	[sflag:s0] =	ssyncset.done @!p0 $0x0  }
0x57: {  	[sflag:s0] =	ssyncadd.s32 @!p0 $0xFFFFE000  }
0x58: {  	_ =	swait.ge @!p0 [sflag:s0], $0x2000  }
0x59: {  	s3 =	simm.s32 @!p0 $0x80;
	[sflag:s0] =	ssyncset.done @!p0 $0x0  }
0x5a: {  	[sflag:s0] =	ssyncadd.s32 @!p0 $0xFFFFE000;
	s0 =	sshll.u32 @!p0 s29, $0x8;
	s29 =	simm.s32 @!p0 $0x1000  }
0x5b: {  	[tilespmem:s29], [sflag:$0x1] =	stream.indirect.gather @!p0 [hbm4b:s1+s3], $0x40, s0, s3, $0xb8;
	[tilespmem:$0xD000] =	vst v63  }
0x5c: {  	s0 =	sor.u32 @!p0 $0x80, s0;
	s29 =	simm.s32 @!p0 $0x3000  }
0x5d: {  	[tilespmem:s29], [sflag:$0x1] =	stream.indirect.gather @!p0 [hbm4b:s2+s3], $0x40, s0, s3, $0xb8;
	[tilespmem:$0xD000] =	vst v63  }
0x5e: {  	s29 =	simm.s32 @!p0 $0x5000  }
0x5f: {  	[tilespmem:s29], [sflag:$0x1] =	stream.indirect.gather @!p0 [hbm4b:s5+s3], $0x40, s0, s3, $0xb8;
	[tilespmem:$0xD000] =	vst v63  }
0x60: {  	_ =	swait.ge [sflag:s22], $0x2000  }
0x61: {  	[sflag:s22] =	ssyncset.done $0x0  }
0x62: {  	[sflag:s22] =	ssyncadd.s32 $0xFFFFE000  }
0x63: {  	_ =	swait.ge [sflag:s22], $0x2000  }
0x64: {  	[sflag:s22] =	ssyncset.done $0x0  }
0x65: {  	[sflag:s22] =	ssyncadd.s32 $0xFFFFE000  }
0x66: {  	_ =	swait.ge [sflag:s22], $0x2000  }
0x67: {  	[sflag:s22] =	ssyncset.done $0x0  }
0x68: {  	s29 =	simm.s32 $0x0;
	[sflag:s22] =	ssyncadd.s32 $0xFFFFE000  }
0x69: {  	v2 =	vld [tilespmem:s29+$0x9000]  }
0x6a: {  	v3 =	vld [tilespmem:s29+$0x9010]  }
0x6b: {  	v1 =	vld [tilespmem:s29+$0x9020]  }
0x6c: {  	v0 =	vld [tilespmem:s29+$0x9030]  }
0x6d: {  	v4 =	vld [tilespmem:s29+$0x7000]  }
0x6e: {  	v6 =	vld [tilespmem:s29+$0x7010]  }
0x6f: {  	s30 =	simm.s32 $0x100;
	v5 =	vld [tilespmem:s29+$0x7020]  }
.LBB2_5:
0x70: {  	p0 =	sne.s32 s30, $0x7F00;
	v7 =	vld [tilespmem:s29+$0x7030]  }
0x71: {  	s0 =	sshra.s32 s30, $0x2  }
0x72: {  	v4 =	vadd.f32 v2, v4;
	v2 =	vld [tilespmem:s0+$0x9000]  }
0x73: {  	v6 =	vadd.f32 v3, v6;
	v3 =	vld [tilespmem:s0+$0x9010]  }
.Ltmp1:
0x74: {  	v4 =	vmax.f32 v4, $0.0e+00;
	v5 =	vadd.f32 v1, v5;
	v1 =	vld [tilespmem:s0+$0x9020];
	(pc) =	sbr.rel @p0 .LBB2_5-.Ltmp1, $4  }
0x75: {  	[tilespmem:s29+$0x7000] =	vst v4;
	v6 =	vmax.f32 v6, $0.0e+00;
	v7 =	vadd.f32 v0, v7;
	v0 =	vld [tilespmem:s0+$0x9030]  }
0x76: {  	v4 =	vld [tilespmem:s0+$0x7000];
	[tilespmem:s29+$0x7010] =	vst v6;
	v5 =	vmax.f32 v5, $0.0e+00  }
0x77: {  	v6 =	vld [tilespmem:s0+$0x7010];
	[tilespmem:s29+$0x7020] =	vst v5;
	v7 =	vmax.f32 v7, $0.0e+00  }
0x78: {  	s30 =	sadd.s32 $0x100, s30;
	v5 =	vld [tilespmem:s0+$0x7020];
	[tilespmem:s29+$0x7030] =	vst v7;
	s29 =	smov.u32 s0  }
0x79: {  	v7 =	vld [tilespmem:s29+$0x7030];
	_ =	sdelay $0x1  }
0x7a: {  	v2 =	vadd.f32 v2, v4  }
0x7b: {  	v3 =	vadd.f32 v3, v6  }
0x7c: {  	v2 =	vmax.f32 v2, $0.0e+00;
	v1 =	vadd.f32 v1, v5  }
0x7d: {  	s0 =	sshll.u32 s28, $0x13;
	s26 =	sadd.s32 $0x1, s26;
	[tilespmem:s29+$0x7000] =	vst v2;
	v63 =	vmax.f32 v3, $0.0e+00;
	v0 =	vadd.f32 v0, v7  }
0x7e: {  	s0 =	sor.u32 s8, s0;
	p0 =	sne.s32 s26, $0x64;
	[tilespmem:s29+$0x7010] =	vst v63;
	v1 =	vmax.f32 v1, $0.0e+00  }
.Ltmp2:
0x7f: {  	s0 =	sshrl.u32 s0, $0x3;
	[tilespmem:s29+$0x7020] =	vst v1;
	v0 =	vmax.f32 v0, $0.0e+00;
	(pc) =	sbr.rel @p0 .LBB2_2-.Ltmp2, $4  }
0x80: {  	s0 =	sadd.s32 s6, s0;
	[tilespmem:s29+$0x7030] =	vst v0  }
0x81: {  	[hbm4b:s0+s21] =	stream.strided.scatter [tilespmem:s17], [sflag:$0x4], $0x2000, s13, s21, $0x38;
	[tilespmem:$0xD000] =	vst v63  }
0x82: {  	s0 =	sadd.s32 $0x8, s0  }
0x83: {  	[hbm4b:s0+s21] =	stream.strided.scatter [tilespmem:s19], [sflag:$0x4], $0x2000, s13, s21, $0x38;
	[tilespmem:$0xD000] =	vst v63  }
0x84: {  	_ =	swait.ge [sflag:s23], $0x2000  }
0x85: {  	[sflag:s23] =	ssyncset.done $0x0  }
0x86: {  	[sflag:s23] =	ssyncadd.s32 $0xFFFFE000  }
0x87: {  	_ =	swait.ge [sflag:s23], $0x2000  }
0x88: {  	[sflag:s23] =	ssyncset.done $0x0  }
0x89: {  	s25 =	sadd.s32 $0x1, s25;
	[sflag:s23] =	ssyncadd.s32 $0xFFFFE000  }
0x8a: {  	p0 =	sne.s32 s25, s9;
	_ =	swait.ge [sflag:s24], $0x2000  }
.Ltmp3:
0x8b: {  	[sflag:s24] =	ssyncset.done $0x0;
	(pc) =	sbr.rel @p0 .LBB2_1-.Ltmp3, $4  }
0x8c: {  	[sflag:s24] =	ssyncadd.s32 $0xFFFFE000  }
0x8d: {  	_ =	swait.ge [sflag:s24], $0x2000  }
0x8e: {  	[sflag:s24] =	ssyncset.done $0x0  }
0x8f: {  	[sflag:s24] =	ssyncadd.s32 $0xFFFFE000  }
0x90: {  	_ =	sfence.sel $0x180000  }
0x91: {  	[bflag:$0x0] =	sbarrier.arrive $0xFFFF  }
0x92: {  	_ =	strace $0x90000047  }
0x93: {  	s0 =	stileid.u32;
	[bflag:$0x2] =	sbarrier.arrive $0xFFFF  }
0x94: {  	p0 =	sne.s32 s0, $0x0;
	s0 =	rddreg [dreg:$0x4]  }
0x95: {  	s0 =	sadd.s32 @!p0 $0x100000, s0  }
0x96: {  	[sflag:s0] =	ssyncadd.tile.s32 @!p0 $0x1;
	_ =	shalt  }
.Lfunc_end2:
_tile_overlayer_lowered:
.L_overlay_start_2:
0x97: {  	(tag) =	ssettag $0x2  }
0x98: {  	s0 =	rddreg [dreg:$0x0];
	s2 =	stileid.u32  }
0x99: {  	s1 =	rddreg [dreg:$0x1];
	p0 =	sne.s32 s2, $0x0  }
0x9a: {  	s3 =	rddreg [dreg:$0x2];
	[bflag:$0x3] =	sbarrier.arrive $0xFFFF;
	s2 =	simm.s32 @!p0 $0x1C05  }
0x9b: {  	[timem:s3], [sflag:s2] =	dma.local @!p0 [hbm:s0], s1  }
0x9c: {  	s0 =	simm.s32 @!p0 $0x5  }
0x9d: {  	_ =	swait.ge @!p0 [sflag:s0], s1  }
0x9e: {  	s1 =	ssub.s32 @!p0 $0x0, s1;
	[sflag:s0] =	ssyncset.done @!p0 $0x0  }
0x9f: {  	[sflag:s0] =	ssyncadd.s32 @!p0 s1  }
0xa0: {  	[bflag:$0x3] =	sbarrier.arrive $0xFFFF  }
0xa1: {  	_ =	shalt  }

</sc_bundles>
